<compile_context>
chip_gen: v7x
topology: tpu7x:2x2x1
jax: 0.10.2.dev20260603
libtpu: 0.0.44.dev20260713+nightly
codegen_flags: <defaults>
</compile_context>

<pallas_src>
import functools

import jax
import jax.numpy as jnp
from jax import lax
from jax.experimental import pallas as pl
from jax.experimental.pallas import tpu as pltpu
from jax.experimental.pallas import tpu_sc as plsc

_EXPERTS = 64
_BT = 4096
_CH = 256


def _router_body(hs_ref, w_ref, b_ref, packed_ref, p1_ref):
    logits = lax.dot_general(
        hs_ref[...], w_ref[...], (((1,), (1,)), ((), ())),
        preferred_element_type=jnp.float32,
    )
    logits = logits + b_ref[...]
    ex = lax.broadcasted_iota(jnp.int32, logits.shape, 1)
    m1 = jnp.max(logits, axis=1, keepdims=True)
    i1 = jnp.min(jnp.where(logits == m1, ex, _EXPERTS), axis=1, keepdims=True)
    masked = jnp.where(ex == i1, -jnp.inf, logits)
    m2 = jnp.max(masked, axis=1, keepdims=True)
    i2 = jnp.min(jnp.where(masked == m2, ex, _EXPERTS), axis=1, keepdims=True)
    e = jnp.exp(m2 - m1)
    p1 = 1.0 / (1.0 + e)
    packed_ref[...] = jnp.reshape(i1 * _EXPERTS + i2, (logits.shape[0],))
    p1_ref[...] = jnp.reshape(p1, (logits.shape[0],))


def _topk_compact(hidden_states, weight, bias):
    tokens, hidden = hidden_states.shape
    return pl.pallas_call(
        _router_body,
        grid=(tokens // _BT,),
        in_specs=[
            pl.BlockSpec((_BT, hidden), lambda i: (i, 0)),
            pl.BlockSpec((_EXPERTS, hidden), lambda i: (0, 0)),
            pl.BlockSpec((1, _EXPERTS), lambda i: (0, 0)),
        ],
        out_specs=[
            pl.BlockSpec((_BT,), lambda i: (i,)),
            pl.BlockSpec((_BT,), lambda i: (i,)),
        ],
        out_shape=[
            jax.ShapeDtypeStruct((tokens,), jnp.int32),
            jax.ShapeDtypeStruct((tokens,), jnp.float32),
        ],
    )(hidden_states, weight, bias.reshape(1, _EXPERTS))


def _make_finalize(tokens):
    info = plsc.get_sparse_core_info()
    nw = info.num_cores * info.num_subcores
    tpw = tokens // nw
    n_ch = tpw // _CH
    mesh = plsc.VectorSubcoreMesh(core_axis_name="c", subcore_axis_name="s")

    @functools.partial(
        pl.kernel,
        out_type=(
            jax.ShapeDtypeStruct((tokens, _EXPERTS), jnp.float32),
            jax.ShapeDtypeStruct((tokens, 2), jnp.int32),
        ),
        mesh=mesh,
        scratch_types=[
            pltpu.VMEM((tpw,), jnp.int32),
            pltpu.VMEM((tpw,), jnp.float32),
            pltpu.VMEM((_CH, _EXPERTS), jnp.float32),
            pltpu.VMEM((_CH, 2), jnp.int32),
        ],
        compiler_params=pltpu.CompilerParams(
            needs_layout_passes=False, skip_device_barrier=True),
    )
    def finalize(packed_hbm, p1_hbm, scores_hbm, idx_hbm,
                 ip_v, p1_v, buf_v, ib_v):
        wid = lax.axis_index("s") * info.num_cores + lax.axis_index("c")
        base = wid * tpw
        pltpu.sync_copy(packed_hbm.at[pl.ds(base, tpw)], ip_v)
        pltpu.sync_copy(p1_hbm.at[pl.ds(base, tpw)], p1_v)

        zeros = jnp.zeros((16,), jnp.float32)
        lane = lax.iota(jnp.int32, 16)
        col0 = jnp.zeros((16,), jnp.int32)
        col1 = jnp.ones((16,), jnp.int32)

        for ch in range(n_ch):
            def zero_body(t, _):
                row = buf_v.at[t]
                for c in range(_EXPERTS // 16):
                    row[pl.ds(c * 16, 16)] = zeros
                return 0

            lax.fori_loop(0, _CH, zero_body, 0, unroll=4)

            def scat_body(i, _):
                tok = lane + i * 16
                ip = ip_v[pl.ds(ch * _CH + i * 16, 16)]
                p1 = p1_v[pl.ds(ch * _CH + i * 16, 16)]
                i1 = ip >> 6
                i2 = ip & 63
                plsc.store_scatter(buf_v, [tok, i1], p1)
                plsc.store_scatter(buf_v, [tok, i2], 1.0 - p1)
                plsc.store_scatter(ib_v, [tok, col0], i1)
                plsc.store_scatter(ib_v, [tok, col1], i2)
                return 0

            lax.fori_loop(0, _CH // 16, scat_body, 0, unroll=2)
            pltpu.sync_copy(
                buf_v, scores_hbm.at[pl.ds(base + ch * _CH, _CH), :])
            pltpu.sync_copy(
                ib_v, idx_hbm.at[pl.ds(base + ch * _CH, _CH), :])

    return finalize


def kernel(hidden_states, weight, bias):
    tokens, _ = hidden_states.shape
    packed, p1 = _topk_compact(hidden_states, weight, bias)
    scores, idx = _make_finalize(tokens)(packed, p1)
    return scores, idx

# --- scband reference (transcript-rebuilt; emitter-appended) ---
"""Pipeline reference for scband-gpt-oss-top-krouter-19954418057882 (READ-ONLY COPY).

The authoritative reference and input builder live on the scoring server;
editing this copy changes nothing except your own understanding.
"""

import jax, jax.numpy as jnp
import numpy as np

NUM_EXPERTS = 64
TOP_K = 2
HIDDEN = 768
TOKENS = 32768

def setup_inputs(seed: int = 0) -> dict:
    key = jax.random.key(seed)
    k1, k2, k3 = jax.random.split(key, 3)
    hidden_states = jax.random.normal(k1, (TOKENS, HIDDEN), dtype=jnp.float32)
    weight = jax.random.normal(k2, (NUM_EXPERTS, HIDDEN), dtype=jnp.float32) * 0.02
    bias = jax.random.normal(k3, (NUM_EXPERTS,), dtype=jnp.float32) * 0.02
    return {"hidden_states": hidden_states, "weight": weight, "bias": bias}

def reference(hidden_states, weight, bias):
    hs = hidden_states.reshape(-1, HIDDEN)
    router_logits = hs @ weight.T + bias
    router_top_value, router_indices = jax.lax.top_k(router_logits, TOP_K)
    router_top_value = jax.nn.softmax(router_top_value, axis=1)
    rows = jnp.arange(hs.shape[0])[:, None]
    router_scores = jnp.zeros_like(router_logits).at[rows, router_indices].set(router_top_value)
    return (router_scores, router_indices)

if __name__ == "__main__":
    import jax
    _d = setup_inputs()
    print(jax.jit(kernel)(*tuple(_d.values())))

</pallas_src>

<mosaic_0001>
#map = affine_map<(d0, d1) -> (0)>
#map1 = affine_map<(d0, d1) -> (0, 0)>
module attributes {stable_mosaic.version = 14 : i64} {
  func.func @finalize(%arg0: i32, %arg1: i32, %arg2: memref<32768xi32, #tpu.memory_space<hbm>>, %arg3: memref<32768xf32, #tpu.memory_space<hbm>>, %arg4: memref<32768x64xf32, #tpu.memory_space<hbm>>, %arg5: memref<32768x2xi32, #tpu.memory_space<hbm>>, %arg6: memref<1024xi32, #tpu.memory_space<vmem>>, %arg7: memref<1024xf32, #tpu.memory_space<vmem>>, %arg8: memref<256x64xf32, #tpu.memory_space<vmem>>, %arg9: memref<256x2xi32, #tpu.memory_space<vmem>>) attributes {dimension_semantics = [#tpu.dimension_semantics<core_parallel>, #tpu.dimension_semantics<subcore_parallel>], iteration_bounds = array<i64: 2, 16>, scalar_prefetch = 0 : i64, scratch_operands = 4 : i64, tpu.core_type = #tpu.core_type<sc_vector_subcore>, window_params = [{transform_indices = #map}, {transform_indices = #map}, {transform_indices = #map1}, {transform_indices = #map1}]} {
    %mul3A = arith.constant 2 : i32
    %mul3A_0 = arith.muli %arg1, %mul3A : i32
    %add3A = arith.addi %mul3A_0, %arg0 : i32
    %mul3A_1 = arith.constant 1024 : i32
    %mul3A_2 = arith.muli %add3A, %mul3A_1 : i32
    "tpu.region"() ({
      %run_scoped3A = tpu.sem_alloc : memref<!tpu.dma_semaphore, #tpu.memory_space<semaphore_mem>>
      %dma_start3A = tpu.memref_slice %arg2[%mul3A_2] : memref<32768xi32, #tpu.memory_space<hbm>> -> memref<1024xi32, #tpu.memory_space<hbm>>
      %dma_start3A_79 = tpu.memref_slice %arg2[%mul3A_2] : memref<32768xi32, #tpu.memory_space<hbm>> -> memref<1024xi32, #tpu.memory_space<hbm>>
      tpu.enqueue_dma source(%dma_start3A_79 : memref<1024xi32, #tpu.memory_space<hbm>>) target(%arg6 : memref<1024xi32, #tpu.memory_space<vmem>>) target_semaphore(%run_scoped3A : memref<!tpu.dma_semaphore, #tpu.memory_space<semaphore_mem>>)
      %dma_wait3A = tpu.memref_slice %arg2[%mul3A_2] : memref<32768xi32, #tpu.memory_space<hbm>> -> memref<1024xi32, #tpu.memory_space<hbm>>
      %dma_wait3A_80 = tpu.memref_slice %arg2[%mul3A_2] : memref<32768xi32, #tpu.memory_space<hbm>> -> memref<1024xi32, #tpu.memory_space<hbm>>
      tpu.wait_dma2 semaphore(%run_scoped3A : memref<!tpu.dma_semaphore, #tpu.memory_space<semaphore_mem>>) src(%dma_wait3A_80 : memref<1024xi32, #tpu.memory_space<hbm>>) dst(%arg6 : memref<1024xi32, #tpu.memory_space<vmem>>)
      tpu.yield
    }) : () -> ()
    "tpu.region"() ({
      %run_scoped3A = tpu.sem_alloc : memref<!tpu.dma_semaphore, #tpu.memory_space<semaphore_mem>>
      %dma_start3A = tpu.memref_slice %arg3[%mul3A_2] : memref<32768xf32, #tpu.memory_space<hbm>> -> memref<1024xf32, #tpu.memory_space<hbm>>
      %dma_start3A_79 = tpu.memref_slice %arg3[%mul3A_2] : memref<32768xf32, #tpu.memory_space<hbm>> -> memref<1024xf32, #tpu.memory_space<hbm>>
      tpu.enqueue_dma source(%dma_start3A_79 : memref<1024xf32, #tpu.memory_space<hbm>>) target(%arg7 : memref<1024xf32, #tpu.memory_space<vmem>>) target_semaphore(%run_scoped3A : memref<!tpu.dma_semaphore, #tpu.memory_space<semaphore_mem>>)
      %dma_wait3A = tpu.memref_slice %arg3[%mul3A_2] : memref<32768xf32, #tpu.memory_space<hbm>> -> memref<1024xf32, #tpu.memory_space<hbm>>
      %dma_wait3A_80 = tpu.memref_slice %arg3[%mul3A_2] : memref<32768xf32, #tpu.memory_space<hbm>> -> memref<1024xf32, #tpu.memory_space<hbm>>
      tpu.wait_dma2 semaphore(%run_scoped3A : memref<!tpu.dma_semaphore, #tpu.memory_space<semaphore_mem>>) src(%dma_wait3A_80 : memref<1024xf32, #tpu.memory_space<hbm>>) dst(%arg7 : memref<1024xf32, #tpu.memory_space<vmem>>)
      tpu.yield
    }) : () -> ()
    %broadcast_in_dim3A = arith.constant 0.000000e+00 : f32
    %broadcast_in_dim3A_3 = vector.broadcast %broadcast_in_dim3A : f32 to vector<16xf32>
    %iota3A = tpu.iota {dimensions = array<i32: 0>} : vector<16xi32>
    %broadcast_in_dim3A_4 = arith.constant 0 : i32
    %broadcast_in_dim3A_5 = vector.broadcast %broadcast_in_dim3A_4 : i32 to vector<16xi32>
    %broadcast_in_dim3A_6 = arith.constant 1 : i32
    %broadcast_in_dim3A_7 = vector.broadcast %broadcast_in_dim3A_6 : i32 to vector<16xi32>
    %scan3A = arith.constant 0 : i32
    %scan3A_8 = arith.constant 0 : i32
    %scan3A_9 = arith.constant 256 : i32
    %scan3A_10 = arith.addi %scan3A_8, %scan3A_9 : i32
    %scan3A_11 = arith.constant 4 : i32
    %scan3A_12 = scf.for %scan3A_79 = %scan3A_8 to %scan3A_10 step %scan3A_11 iter_args(%scan3A_80 = %scan3A) -> (i32)  : i32 {
      %swap3A = arith.constant 0 : i32
      %swap3A_81 = tpu.memref_slice %arg8[%scan3A_79, %swap3A] : memref<256x64xf32, #tpu.memory_space<vmem>> -> memref<1x64xf32, #tpu.memory_space<vmem>>
      %swap3A_82 = tpu.memref_squeeze %swap3A_81 : memref<1x64xf32, #tpu.memory_space<vmem>> -> memref<64xf32, #tpu.memory_space<vmem>>
      %swap3A_83 = arith.constant 0 : index
      %swap3A_84 = tpu.vector_load %swap3A_82[%swap3A_83] {strides = array<i32>} : memref<64xf32, #tpu.memory_space<vmem>>, vector<16xf32>,
      tpu.vector_store %swap3A_82[%swap3A_83], %broadcast_in_dim3A_3 {strides = array<i32>} : memref<64xf32, #tpu.memory_space<vmem>>, vector<16xf32>,
      %swap3A_85 = arith.constant 0 : i32
      %swap3A_86 = tpu.memref_slice %arg8[%scan3A_79, %swap3A_85] : memref<256x64xf32, #tpu.memory_space<vmem>> -> memref<1x64xf32, #tpu.memory_space<vmem>>
      %swap3A_87 = tpu.memref_squeeze %swap3A_86 : memref<1x64xf32, #tpu.memory_space<vmem>> -> memref<64xf32, #tpu.memory_space<vmem>>
      %swap3A_88 = arith.constant 16 : index
      %swap3A_89 = tpu.vector_load %swap3A_87[%swap3A_88] {strides = array<i32>} : memref<64xf32, #tpu.memory_space<vmem>>, vector<16xf32>,
      tpu.vector_store %swap3A_87[%swap3A_88], %broadcast_in_dim3A_3 {strides = array<i32>} : memref<64xf32, #tpu.memory_space<vmem>>, vector<16xf32>,
      %swap3A_90 = arith.constant 0 : i32
      %swap3A_91 = tpu.memref_slice %arg8[%scan3A_79, %swap3A_90] : memref<256x64xf32, #tpu.memory_space<vmem>> -> memref<1x64xf32, #tpu.memory_space<vmem>>
      %swap3A_92 = tpu.memref_squeeze %swap3A_91 : memref<1x64xf32, #tpu.memory_space<vmem>> -> memref<64xf32, #tpu.memory_space<vmem>>
      %swap3A_93 = arith.constant 32 : index
      %swap3A_94 = tpu.vector_load %swap3A_92[%swap3A_93] {strides = array<i32>} : memref<64xf32, #tpu.memory_space<vmem>>, vector<16xf32>,
      tpu.vector_store %swap3A_92[%swap3A_93], %broadcast_in_dim3A_3 {strides = array<i32>} : memref<64xf32, #tpu.memory_space<vmem>>, vector<16xf32>,
      %swap3A_95 = arith.constant 0 : i32
      %swap3A_96 = tpu.memref_slice %arg8[%scan3A_79, %swap3A_95] : memref<256x64xf32, #tpu.memory_space<vmem>> -> memref<1x64xf32, #tpu.memory_space<vmem>>
      %swap3A_97 = tpu.memref_squeeze %swap3A_96 : memref<1x64xf32, #tpu.memory_space<vmem>> -> memref<64xf32, #tpu.memory_space<vmem>>
      %swap3A_98 = arith.constant 48 : index
      %swap3A_99 = tpu.vector_load %swap3A_97[%swap3A_98] {strides = array<i32>} : memref<64xf32, #tpu.memory_space<vmem>>, vector<16xf32>,
      tpu.vector_store %swap3A_97[%swap3A_98], %broadcast_in_dim3A_3 {strides = array<i32>} : memref<64xf32, #tpu.memory_space<vmem>>, vector<16xf32>,
      %scan3A_100 = arith.constant 0 : i32
      %scan3A_101 = arith.constant 1 : i32
      %scan3A_102 = arith.addi %scan3A_79, %scan3A_101 : i32
      %swap3A_103 = arith.constant 0 : i32
      %swap3A_104 = tpu.memref_slice %arg8[%scan3A_102, %swap3A_103] : memref<256x64xf32, #tpu.memory_space<vmem>> -> memref<1x64xf32, #tpu.memory_space<vmem>>
      %swap3A_105 = tpu.memref_squeeze %swap3A_104 : memref<1x64xf32, #tpu.memory_space<vmem>> -> memref<64xf32, #tpu.memory_space<vmem>>
      %swap3A_106 = arith.constant 0 : index
      %swap3A_107 = tpu.vector_load %swap3A_105[%swap3A_106] {strides = array<i32>} : memref<64xf32, #tpu.memory_space<vmem>>, vector<16xf32>,
      tpu.vector_store %swap3A_105[%swap3A_106], %broadcast_in_dim3A_3 {strides = array<i32>} : memref<64xf32, #tpu.memory_space<vmem>>, vector<16xf32>,
      %swap3A_108 = arith.constant 0 : i32
      %swap3A_109 = tpu.memref_slice %arg8[%scan3A_102, %swap3A_108] : memref<256x64xf32, #tpu.memory_space<vmem>> -> memref<1x64xf32, #tpu.memory_space<vmem>>
      %swap3A_110 = tpu.memref_squeeze %swap3A_109 : memref<1x64xf32, #tpu.memory_space<vmem>> -> memref<64xf32, #tpu.memory_space<vmem>>
      %swap3A_111 = arith.constant 16 : index
      %swap3A_112 = tpu.vector_load %swap3A_110[%swap3A_111] {strides = array<i32>} : memref<64xf32, #tpu.memory_space<vmem>>, vector<16xf32>,
      tpu.vector_store %swap3A_110[%swap3A_111], %broadcast_in_dim3A_3 {strides = array<i32>} : memref<64xf32, #tpu.memory_space<vmem>>, vector<16xf32>,
      %swap3A_113 = arith.constant 0 : i32
      %swap3A_114 = tpu.memref_slice %arg8[%scan3A_102, %swap3A_113] : memref<256x64xf32, #tpu.memory_space<vmem>> -> memref<1x64xf32, #tpu.memory_space<vmem>>
      %swap3A_115 = tpu.memref_squeeze %swap3A_114 : memref<1x64xf32, #tpu.memory_space<vmem>> -> memref<64xf32, #tpu.memory_space<vmem>>
      %swap3A_116 = arith.constant 32 : index
      %swap3A_117 = tpu.vector_load %swap3A_115[%swap3A_116] {strides = array<i32>} : memref<64xf32, #tpu.memory_space<vmem>>, vector<16xf32>,
      tpu.vector_store %swap3A_115[%swap3A_116], %broadcast_in_dim3A_3 {strides = array<i32>} : memref<64xf32, #tpu.memory_space<vmem>>, vector<16xf32>,
      %swap3A_118 = arith.constant 0 : i32
      %swap3A_119 = tpu.memref_slice %arg8[%scan3A_102, %swap3A_118] : memref<256x64xf32, #tpu.memory_space<vmem>> -> memref<1x64xf32, #tpu.memory_space<vmem>>
      %swap3A_120 = tpu.memref_squeeze %swap3A_119 : memref<1x64xf32, #tpu.memory_space<vmem>> -> memref<64xf32, #tpu.memory_space<vmem>>
      %swap3A_121 = arith.constant 48 : index
      %swap3A_122 = tpu.vector_load %swap3A_120[%swap3A_121] {strides = array<i32>} : memref<64xf32, #tpu.memory_space<vmem>>, vector<16xf32>,
      tpu.vector_store %swap3A_120[%swap3A_121], %broadcast_in_dim3A_3 {strides = array<i32>} : memref<64xf32, #tpu.memory_space<vmem>>, vector<16xf32>,
      %scan3A_123 = arith.constant 0 : i32
      %scan3A_124 = arith.constant 2 : i32
      %scan3A_125 = arith.addi %scan3A_79, %scan3A_124 : i32
      %swap3A_126 = arith.constant 0 : i32
      %swap3A_127 = tpu.memref_slice %arg8[%scan3A_125, %swap3A_126] : memref<256x64xf32, #tpu.memory_space<vmem>> -> memref<1x64xf32, #tpu.memory_space<vmem>>
      %swap3A_128 = tpu.memref_squeeze %swap3A_127 : memref<1x64xf32, #tpu.memory_space<vmem>> -> memref<64xf32, #tpu.memory_space<vmem>>
      %swap3A_129 = arith.constant 0 : index
      %swap3A_130 = tpu.vector_load %swap3A_128[%swap3A_129] {strides = array<i32>} : memref<64xf32, #tpu.memory_space<vmem>>, vector<16xf32>,
      tpu.vector_store %swap3A_128[%swap3A_129], %broadcast_in_dim3A_3 {strides = array<i32>} : memref<64xf32, #tpu.memory_space<vmem>>, vector<16xf32>,
      %swap3A_131 = arith.constant 0 : i32
      %swap3A_132 = tpu.memref_slice %arg8[%scan3A_125, %swap3A_131] : memref<256x64xf32, #tpu.memory_space<vmem>> -> memref<1x64xf32, #tpu.memory_space<vmem>>
      %swap3A_133 = tpu.memref_squeeze %swap3A_132 : memref<1x64xf32, #tpu.memory_space<vmem>> -> memref<64xf32, #tpu.memory_space<vmem>>
      %swap3A_134 = arith.constant 16 : index
      %swap3A_135 = tpu.vector_load %swap3A_133[%swap3A_134] {strides = array<i32>} : memref<64xf32, #tpu.memory_space<vmem>>, vector<16xf32>,
      tpu.vector_store %swap3A_133[%swap3A_134], %broadcast_in_dim3A_3 {strides = array<i32>} : memref<64xf32, #tpu.memory_space<vmem>>, vector<16xf32>,
      %swap3A_136 = arith.constant 0 : i32
      %swap3A_137 = tpu.memref_slice %arg8[%scan3A_125, %swap3A_136] : memref<256x64xf32, #tpu.memory_space<vmem>> -> memref<1x64xf32, #tpu.memory_space<vmem>>
      %swap3A_138 = tpu.memref_squeeze %swap3A_137 : memref<1x64xf32, #tpu.memory_space<vmem>> -> memref<64xf32, #tpu.memory_space<vmem>>
      %swap3A_139 = arith.constant 32 : index
      %swap3A_140 = tpu.vector_load %swap3A_138[%swap3A_139] {strides = array<i32>} : memref<64xf32, #tpu.memory_space<vmem>>, vector<16xf32>,
      tpu.vector_store %swap3A_138[%swap3A_139], %broadcast_in_dim3A_3 {strides = array<i32>} : memref<64xf32, #tpu.memory_space<vmem>>, vector<16xf32>,
      %swap3A_141 = arith.constant 0 : i32
      %swap3A_142 = tpu.memref_slice %arg8[%scan3A_125, %swap3A_141] : memref<256x64xf32, #tpu.memory_space<vmem>> -> memref<1x64xf32, #tpu.memory_space<vmem>>
      %swap3A_143 = tpu.memref_squeeze %swap3A_142 : memref<1x64xf32, #tpu.memory_space<vmem>> -> memref<64xf32, #tpu.memory_space<vmem>>
      %swap3A_144 = arith.constant 48 : index
      %swap3A_145 = tpu.vector_load %swap3A_143[%swap3A_144] {strides = array<i32>} : memref<64xf32, #tpu.memory_space<vmem>>, vector<16xf32>,
      tpu.vector_store %swap3A_143[%swap3A_144], %broadcast_in_dim3A_3 {strides = array<i32>} : memref<64xf32, #tpu.memory_space<vmem>>, vector<16xf32>,
      %scan3A_146 = arith.constant 0 : i32
      %scan3A_147 = arith.constant 3 : i32
      %scan3A_148 = arith.addi %scan3A_79, %scan3A_147 : i32
      %swap3A_149 = arith.constant 0 : i32
      %swap3A_150 = tpu.memref_slice %arg8[%scan3A_148, %swap3A_149] : memref<256x64xf32, #tpu.memory_space<vmem>> -> memref<1x64xf32, #tpu.memory_space<vmem>>
      %swap3A_151 = tpu.memref_squeeze %swap3A_150 : memref<1x64xf32, #tpu.memory_space<vmem>> -> memref<64xf32, #tpu.memory_space<vmem>>
      %swap3A_152 = arith.constant 0 : index
      %swap3A_153 = tpu.vector_load %swap3A_151[%swap3A_152] {strides = array<i32>} : memref<64xf32, #tpu.memory_space<vmem>>, vector<16xf32>,
      tpu.vector_store %swap3A_151[%swap3A_152], %broadcast_in_dim3A_3 {strides = array<i32>} : memref<64xf32, #tpu.memory_space<vmem>>, vector<16xf32>,
      %swap3A_154 = arith.constant 0 : i32
      %swap3A_155 = tpu.memref_slice %arg8[%scan3A_148, %swap3A_154] : memref<256x64xf32, #tpu.memory_space<vmem>> -> memref<1x64xf32, #tpu.memory_space<vmem>>
      %swap3A_156 = tpu.memref_squeeze %swap3A_155 : memref<1x64xf32, #tpu.memory_space<vmem>> -> memref<64xf32, #tpu.memory_space<vmem>>
      %swap3A_157 = arith.constant 16 : index
      %swap3A_158 = tpu.vector_load %swap3A_156[%swap3A_157] {strides = array<i32>} : memref<64xf32, #tpu.memory_space<vmem>>, vector<16xf32>,
      tpu.vector_store %swap3A_156[%swap3A_157], %broadcast_in_dim3A_3 {strides = array<i32>} : memref<64xf32, #tpu.memory_space<vmem>>, vector<16xf32>,
      %swap3A_159 = arith.constant 0 : i32
      %swap3A_160 = tpu.memref_slice %arg8[%scan3A_148, %swap3A_159] : memref<256x64xf32, #tpu.memory_space<vmem>> -> memref<1x64xf32, #tpu.memory_space<vmem>>
      %swap3A_161 = tpu.memref_squeeze %swap3A_160 : memref<1x64xf32, #tpu.memory_space<vmem>> -> memref<64xf32, #tpu.memory_space<vmem>>
      %swap3A_162 = arith.constant 32 : index
      %swap3A_163 = tpu.vector_load %swap3A_161[%swap3A_162] {strides = array<i32>} : memref<64xf32, #tpu.memory_space<vmem>>, vector<16xf32>,
      tpu.vector_store %swap3A_161[%swap3A_162], %broadcast_in_dim3A_3 {strides = array<i32>} : memref<64xf32, #tpu.memory_space<vmem>>, vector<16xf32>,
      %swap3A_164 = arith.constant 0 : i32
      %swap3A_165 = tpu.memref_slice %arg8[%scan3A_148, %swap3A_164] : memref<256x64xf32, #tpu.memory_space<vmem>> -> memref<1x64xf32, #tpu.memory_space<vmem>>
      %swap3A_166 = tpu.memref_squeeze %swap3A_165 : memref<1x64xf32, #tpu.memory_space<vmem>> -> memref<64xf32, #tpu.memory_space<vmem>>
      %swap3A_167 = arith.constant 48 : index
      %swap3A_168 = tpu.vector_load %swap3A_166[%swap3A_167] {strides = array<i32>} : memref<64xf32, #tpu.memory_space<vmem>>, vector<16xf32>,
      tpu.vector_store %swap3A_166[%swap3A_167], %broadcast_in_dim3A_3 {strides = array<i32>} : memref<64xf32, #tpu.memory_space<vmem>>, vector<16xf32>,
      %scan3A_169 = arith.constant 0 : i32
      scf.yield %scan3A_169 : i32
    }
    %scan3A_13 = arith.constant 256 : i32
    %scan3A_14 = arith.constant 0 : i32
    %scan3A_15 = arith.constant 0 : i32
    %scan3A_16 = arith.constant 16 : i32
    %scan3A_17 = arith.addi %scan3A_15, %scan3A_16 : i32
    %scan3A_18 = arith.constant 2 : i32
    %scan3A_19 = scf.for %scan3A_79 = %scan3A_15 to %scan3A_17 step %scan3A_18 iter_args(%scan3A_80 = %scan3A_14) -> (i32)  : i32 {
      %mul3A_81 = arith.constant 16 : i32
      %mul3A_82 = arith.muli %scan3A_79, %mul3A_81 : i32
      %add3A_83 = vector.broadcast %mul3A_82 : i32 to vector<16xi32>
      %add3A_84 = arith.addi %iota3A, %add3A_83 : vector<16xi32>
      %mul3A_85 = arith.constant 16 : i32
      %mul3A_86 = arith.muli %scan3A_79, %mul3A_85 : i32
      %add3A_87 = arith.constant 0 : i32
      %add3A_88 = arith.addi %add3A_87, %mul3A_86 : i32
      %get3A = arith.index_cast %add3A_88 : i32 to index
      %get3A_89 = tpu.vector_load %arg6[%get3A] {strides = array<i32>} : memref<1024xi32, #tpu.memory_space<vmem>>, vector<16xi32>,
      %mul3A_90 = arith.constant 16 : i32
      %mul3A_91 = arith.muli %scan3A_79, %mul3A_90 : i32
      %add3A_92 = arith.constant 0 : i32
      %add3A_93 = arith.addi %add3A_92, %mul3A_91 : i32
      %get3A_94 = arith.index_cast %add3A_93 : i32 to index
      %get3A_95 = tpu.vector_load %arg7[%get3A_94] {strides = array<i32>} : memref<1024xf32, #tpu.memory_space<vmem>>, vector<16xf32>,
      %shift_right_arithmetic3A = arith.constant 6 : i32
      %shift_right_arithmetic3A_96 = vector.broadcast %shift_right_arithmetic3A : i32 to vector<16xi32>
      %shift_right_arithmetic3A_97 = arith.shrsi %get3A_89, %shift_right_arithmetic3A_96 : vector<16xi32>
      %and3A = arith.constant 63 : i32
      %and3A_98 = vector.broadcast %and3A : i32 to vector<16xi32>
      %and3A_99 = arith.andi %get3A_89, %and3A_98 : vector<16xi32>
      tpu.vector_store_idx %arg8[%add3A_84, %shift_right_arithmetic3A_97], %get3A_95 : memref<256x64xf32, #tpu.memory_space<vmem>>[vector<16xi32>, vector<16xi32>], vector<16xf32>,
      %sub3A = arith.constant 1.000000e+00 : f32
      %sub3A_100 = vector.broadcast %sub3A : f32 to vector<16xf32>
      %sub3A_101 = arith.subf %sub3A_100, %get3A_95 : vector<16xf32>
      tpu.vector_store_idx %arg8[%add3A_84, %and3A_99], %sub3A_101 : memref<256x64xf32, #tpu.memory_space<vmem>>[vector<16xi32>, vector<16xi32>], vector<16xf32>,
      tpu.vector_store_idx %arg9[%add3A_84, %broadcast_in_dim3A_5], %shift_right_arithmetic3A_97 : memref<256x2xi32, #tpu.memory_space<vmem>>[vector<16xi32>, vector<16xi32>], vector<16xi32>,
      tpu.vector_store_idx %arg9[%add3A_84, %broadcast_in_dim3A_7], %and3A_99 : memref<256x2xi32, #tpu.memory_space<vmem>>[vector<16xi32>, vector<16xi32>], vector<16xi32>,
      %scan3A_102 = arith.constant 0 : i32
      %scan3A_103 = arith.constant 1 : i32
      %scan3A_104 = arith.addi %scan3A_79, %scan3A_103 : i32
      %mul3A_105 = arith.constant 16 : i32
      %mul3A_106 = arith.muli %scan3A_104, %mul3A_105 : i32
      %add3A_107 = vector.broadcast %mul3A_106 : i32 to vector<16xi32>
      %add3A_108 = arith.addi %iota3A, %add3A_107 : vector<16xi32>
      %mul3A_109 = arith.constant 16 : i32
      %mul3A_110 = arith.muli %scan3A_104, %mul3A_109 : i32
      %add3A_111 = arith.constant 0 : i32
      %add3A_112 = arith.addi %add3A_111, %mul3A_110 : i32
      %get3A_113 = arith.index_cast %add3A_112 : i32 to index
      %get3A_114 = tpu.vector_load %arg6[%get3A_113] {strides = array<i32>} : memref<1024xi32, #tpu.memory_space<vmem>>, vector<16xi32>,
      %mul3A_115 = arith.constant 16 : i32
      %mul3A_116 = arith.muli %scan3A_104, %mul3A_115 : i32
      %add3A_117 = arith.constant 0 : i32
      %add3A_118 = arith.addi %add3A_117, %mul3A_116 : i32
      %get3A_119 = arith.index_cast %add3A_118 : i32 to index
      %get3A_120 = tpu.vector_load %arg7[%get3A_119] {strides = array<i32>} : memref<1024xf32, #tpu.memory_space<vmem>>, vector<16xf32>,
      %shift_right_arithmetic3A_121 = arith.constant 6 : i32
      %shift_right_arithmetic3A_122 = vector.broadcast %shift_right_arithmetic3A_121 : i32 to vector<16xi32>
      %shift_right_arithmetic3A_123 = arith.shrsi %get3A_114, %shift_right_arithmetic3A_122 : vector<16xi32>
      %and3A_124 = arith.constant 63 : i32
      %and3A_125 = vector.broadcast %and3A_124 : i32 to vector<16xi32>
      %and3A_126 = arith.andi %get3A_114, %and3A_125 : vector<16xi32>
      tpu.vector_store_idx %arg8[%add3A_108, %shift_right_arithmetic3A_123], %get3A_120 : memref<256x64xf32, #tpu.memory_space<vmem>>[vector<16xi32>, vector<16xi32>], vector<16xf32>,
      %sub3A_127 = arith.constant 1.000000e+00 : f32
      %sub3A_128 = vector.broadcast %sub3A_127 : f32 to vector<16xf32>
      %sub3A_129 = arith.subf %sub3A_128, %get3A_120 : vector<16xf32>
      tpu.vector_store_idx %arg8[%add3A_108, %and3A_126], %sub3A_129 : memref<256x64xf32, #tpu.memory_space<vmem>>[vector<16xi32>, vector<16xi32>], vector<16xf32>,
      tpu.vector_store_idx %arg9[%add3A_108, %broadcast_in_dim3A_5], %shift_right_arithmetic3A_123 : memref<256x2xi32, #tpu.memory_space<vmem>>[vector<16xi32>, vector<16xi32>], vector<16xi32>,
      tpu.vector_store_idx %arg9[%add3A_108, %broadcast_in_dim3A_7], %and3A_126 : memref<256x2xi32, #tpu.memory_space<vmem>>[vector<16xi32>, vector<16xi32>], vector<16xi32>,
      %scan3A_130 = arith.constant 0 : i32
      scf.yield %scan3A_130 : i32
    }
    %scan3A_20 = arith.constant 16 : i32
    %add3A_21 = arith.constant 0 : i32
    %add3A_22 = arith.addi %mul3A_2, %add3A_21 : i32
    "tpu.region"() ({
      %run_scoped3A = tpu.sem_alloc : memref<!tpu.dma_semaphore, #tpu.memory_space<semaphore_mem>>
      %dma_start3A = arith.constant 0 : i32
      %dma_start3A_79 = tpu.memref_slice %arg4[%add3A_22, %dma_start3A] : memref<32768x64xf32, #tpu.memory_space<hbm>> -> memref<256x64xf32, #tpu.memory_space<hbm>>
      %dma_start3A_80 = arith.constant 0 : i32
      %dma_start3A_81 = tpu.memref_slice %arg4[%add3A_22, %dma_start3A_80] : memref<32768x64xf32, #tpu.memory_space<hbm>> -> memref<256x64xf32, #tpu.memory_space<hbm>>
      tpu.enqueue_dma source(%arg8 : memref<256x64xf32, #tpu.memory_space<vmem>>) target(%dma_start3A_81 : memref<256x64xf32, #tpu.memory_space<hbm>>) target_semaphore(%run_scoped3A : memref<!tpu.dma_semaphore, #tpu.memory_space<semaphore_mem>>)
      %dma_wait3A = arith.constant 0 : i32
      %dma_wait3A_82 = tpu.memref_slice %arg4[%add3A_22, %dma_wait3A] : memref<32768x64xf32, #tpu.memory_space<hbm>> -> memref<256x64xf32, #tpu.memory_space<hbm>>
      %dma_wait3A_83 = arith.constant 0 : i32
      %dma_wait3A_84 = tpu.memref_slice %arg4[%add3A_22, %dma_wait3A_83] : memref<32768x64xf32, #tpu.memory_space<hbm>> -> memref<256x64xf32, #tpu.memory_space<hbm>>
      tpu.wait_dma2 semaphore(%run_scoped3A : memref<!tpu.dma_semaphore, #tpu.memory_space<semaphore_mem>>) src(%arg8 : memref<256x64xf32, #tpu.memory_space<vmem>>) dst(%dma_wait3A_84 : memref<256x64xf32, #tpu.memory_space<hbm>>)
      tpu.yield
    }) : () -> ()
    %add3A_23 = arith.constant 0 : i32
    %add3A_24 = arith.addi %mul3A_2, %add3A_23 : i32
    "tpu.region"() ({
      %run_scoped3A = tpu.sem_alloc : memref<!tpu.dma_semaphore, #tpu.memory_space<semaphore_mem>>
      %dma_start3A = arith.constant 0 : i32
      %dma_start3A_79 = tpu.memref_slice %arg5[%add3A_24, %dma_start3A] : memref<32768x2xi32, #tpu.memory_space<hbm>> -> memref<256x2xi32, #tpu.memory_space<hbm>>
      %dma_start3A_80 = arith.constant 0 : i32
      %dma_start3A_81 = tpu.memref_slice %arg5[%add3A_24, %dma_start3A_80] : memref<32768x2xi32, #tpu.memory_space<hbm>> -> memref<256x2xi32, #tpu.memory_space<hbm>>
      tpu.enqueue_dma source(%arg9 : memref<256x2xi32, #tpu.memory_space<vmem>>) target(%dma_start3A_81 : memref<256x2xi32, #tpu.memory_space<hbm>>) target_semaphore(%run_scoped3A : memref<!tpu.dma_semaphore, #tpu.memory_space<semaphore_mem>>)
      %dma_wait3A = arith.constant 0 : i32
      %dma_wait3A_82 = tpu.memref_slice %arg5[%add3A_24, %dma_wait3A] : memref<32768x2xi32, #tpu.memory_space<hbm>> -> memref<256x2xi32, #tpu.memory_space<hbm>>
      %dma_wait3A_83 = arith.constant 0 : i32
      %dma_wait3A_84 = tpu.memref_slice %arg5[%add3A_24, %dma_wait3A_83] : memref<32768x2xi32, #tpu.memory_space<hbm>> -> memref<256x2xi32, #tpu.memory_space<hbm>>
      tpu.wait_dma2 semaphore(%run_scoped3A : memref<!tpu.dma_semaphore, #tpu.memory_space<semaphore_mem>>) src(%arg9 : memref<256x2xi32, #tpu.memory_space<vmem>>) dst(%dma_wait3A_84 : memref<256x2xi32, #tpu.memory_space<hbm>>)
      tpu.yield
    }) : () -> ()
    %scan3A_25 = arith.constant 0 : i32
    %scan3A_26 = arith.constant 0 : i32
    %scan3A_27 = arith.constant 256 : i32
    %scan3A_28 = arith.addi %scan3A_26, %scan3A_27 : i32
    %scan3A_29 = arith.constant 4 : i32
    %scan3A_30 = scf.for %scan3A_79 = %scan3A_26 to %scan3A_28 step %scan3A_29 iter_args(%scan3A_80 = %scan3A_25) -> (i32)  : i32 {
      %swap3A = arith.constant 0 : i32
      %swap3A_81 = tpu.memref_slice %arg8[%scan3A_79, %swap3A] : memref<256x64xf32, #tpu.memory_space<vmem>> -> memref<1x64xf32, #tpu.memory_space<vmem>>
      %swap3A_82 = tpu.memref_squeeze %swap3A_81 : memref<1x64xf32, #tpu.memory_space<vmem>> -> memref<64xf32, #tpu.memory_space<vmem>>
      %swap3A_83 = arith.constant 0 : index
      %swap3A_84 = tpu.vector_load %swap3A_82[%swap3A_83] {strides = array<i32>} : memref<64xf32, #tpu.memory_space<vmem>>, vector<16xf32>,
      tpu.vector_store %swap3A_82[%swap3A_83], %broadcast_in_dim3A_3 {strides = array<i32>} : memref<64xf32, #tpu.memory_space<vmem>>, vector<16xf32>,
      %swap3A_85 = arith.constant 0 : i32
      %swap3A_86 = tpu.memref_slice %arg8[%scan3A_79, %swap3A_85] : memref<256x64xf32, #tpu.memory_space<vmem>> -> memref<1x64xf32, #tpu.memory_space<vmem>>
      %swap3A_87 = tpu.memref_squeeze %swap3A_86 : memref<1x64xf32, #tpu.memory_space<vmem>> -> memref<64xf32, #tpu.memory_space<vmem>>
      %swap3A_88 = arith.constant 16 : index
      %swap3A_89 = tpu.vector_load %swap3A_87[%swap3A_88] {strides = array<i32>} : memref<64xf32, #tpu.memory_space<vmem>>, vector<16xf32>,
      tpu.vector_store %swap3A_87[%swap3A_88], %broadcast_in_dim3A_3 {strides = array<i32>} : memref<64xf32, #tpu.memory_space<vmem>>, vector<16xf32>,
      %swap3A_90 = arith.constant 0 : i32
      %swap3A_91 = tpu.memref_slice %arg8[%scan3A_79, %swap3A_90] : memref<256x64xf32, #tpu.memory_space<vmem>> -> memref<1x64xf32, #tpu.memory_space<vmem>>
      %swap3A_92 = tpu.memref_squeeze %swap3A_91 : memref<1x64xf32, #tpu.memory_space<vmem>> -> memref<64xf32, #tpu.memory_space<vmem>>
      %swap3A_93 = arith.constant 32 : index
      %swap3A_94 = tpu.vector_load %swap3A_92[%swap3A_93] {strides = array<i32>} : memref<64xf32, #tpu.memory_space<vmem>>, vector<16xf32>,
      tpu.vector_store %swap3A_92[%swap3A_93], %broadcast_in_dim3A_3 {strides = array<i32>} : memref<64xf32, #tpu.memory_space<vmem>>, vector<16xf32>,
      %swap3A_95 = arith.constant 0 : i32
      %swap3A_96 = tpu.memref_slice %arg8[%scan3A_79, %swap3A_95] : memref<256x64xf32, #tpu.memory_space<vmem>> -> memref<1x64xf32, #tpu.memory_space<vmem>>
      %swap3A_97 = tpu.memref_squeeze %swap3A_96 : memref<1x64xf32, #tpu.memory_space<vmem>> -> memref<64xf32, #tpu.memory_space<vmem>>
      %swap3A_98 = arith.constant 48 : index
      %swap3A_99 = tpu.vector_load %swap3A_97[%swap3A_98] {strides = array<i32>} : memref<64xf32, #tpu.memory_space<vmem>>, vector<16xf32>,
      tpu.vector_store %swap3A_97[%swap3A_98], %broadcast_in_dim3A_3 {strides = array<i32>} : memref<64xf32, #tpu.memory_space<vmem>>, vector<16xf32>,
      %scan3A_100 = arith.constant 0 : i32
      %scan3A_101 = arith.constant 1 : i32
      %scan3A_102 = arith.addi %scan3A_79, %scan3A_101 : i32
      %swap3A_103 = arith.constant 0 : i32
      %swap3A_104 = tpu.memref_slice %arg8[%scan3A_102, %swap3A_103] : memref<256x64xf32, #tpu.memory_space<vmem>> -> memref<1x64xf32, #tpu.memory_space<vmem>>
      %swap3A_105 = tpu.memref_squeeze %swap3A_104 : memref<1x64xf32, #tpu.memory_space<vmem>> -> memref<64xf32, #tpu.memory_space<vmem>>
      %swap3A_106 = arith.constant 0 : index
      %swap3A_107 = tpu.vector_load %swap3A_105[%swap3A_106] {strides = array<i32>} : memref<64xf32, #tpu.memory_space<vmem>>, vector<16xf32>,
      tpu.vector_store %swap3A_105[%swap3A_106], %broadcast_in_dim3A_3 {strides = array<i32>} : memref<64xf32, #tpu.memory_space<vmem>>, vector<16xf32>,
      %swap3A_108 = arith.constant 0 : i32
      %swap3A_109 = tpu.memref_slice %arg8[%scan3A_102, %swap3A_108] : memref<256x64xf32, #tpu.memory_space<vmem>> -> memref<1x64xf32, #tpu.memory_space<vmem>>
      %swap3A_110 = tpu.memref_squeeze %swap3A_109 : memref<1x64xf32, #tpu.memory_space<vmem>> -> memref<64xf32, #tpu.memory_space<vmem>>
      %swap3A_111 = arith.constant 16 : index
      %swap3A_112 = tpu.vector_load %swap3A_110[%swap3A_111] {strides = array<i32>} : memref<64xf32, #tpu.memory_space<vmem>>, vector<16xf32>,
      tpu.vector_store %swap3A_110[%swap3A_111], %broadcast_in_dim3A_3 {strides = array<i32>} : memref<64xf32, #tpu.memory_space<vmem>>, vector<16xf32>,
      %swap3A_113 = arith.constant 0 : i32
      %swap3A_114 = tpu.memref_slice %arg8[%scan3A_102, %swap3A_113] : memref<256x64xf32, #tpu.memory_space<vmem>> -> memref<1x64xf32, #tpu.memory_space<vmem>>
      %swap3A_115 = tpu.memref_squeeze %swap3A_114 : memref<1x64xf32, #tpu.memory_space<vmem>> -> memref<64xf32, #tpu.memory_space<vmem>>
      %swap3A_116 = arith.constant 32 : index
      %swap3A_117 = tpu.vector_load %swap3A_115[%swap3A_116] {strides = array<i32>} : memref<64xf32, #tpu.memory_space<vmem>>, vector<16xf32>,
      tpu.vector_store %swap3A_115[%swap3A_116], %broadcast_in_dim3A_3 {strides = array<i32>} : memref<64xf32, #tpu.memory_space<vmem>>, vector<16xf32>,
      %swap3A_118 = arith.constant 0 : i32
      %swap3A_119 = tpu.memref_slice %arg8[%scan3A_102, %swap3A_118] : memref<256x64xf32, #tpu.memory_space<vmem>> -> memref<1x64xf32, #tpu.memory_space<vmem>>
      %swap3A_120 = tpu.memref_squeeze %swap3A_119 : memref<1x64xf32, #tpu.memory_space<vmem>> -> memref<64xf32, #tpu.memory_space<vmem>>
      %swap3A_121 = arith.constant 48 : index
      %swap3A_122 = tpu.vector_load %swap3A_120[%swap3A_121] {strides = array<i32>} : memref<64xf32, #tpu.memory_space<vmem>>, vector<16xf32>,
      tpu.vector_store %swap3A_120[%swap3A_121], %broadcast_in_dim3A_3 {strides = array<i32>} : memref<64xf32, #tpu.memory_space<vmem>>, vector<16xf32>,
      %scan3A_123 = arith.constant 0 : i32
      %scan3A_124 = arith.constant 2 : i32
      %scan3A_125 = arith.addi %scan3A_79, %scan3A_124 : i32
      %swap3A_126 = arith.constant 0 : i32
      %swap3A_127 = tpu.memref_slice %arg8[%scan3A_125, %swap3A_126] : memref<256x64xf32, #tpu.memory_space<vmem>> -> memref<1x64xf32, #tpu.memory_space<vmem>>
      %swap3A_128 = tpu.memref_squeeze %swap3A_127 : memref<1x64xf32, #tpu.memory_space<vmem>> -> memref<64xf32, #tpu.memory_space<vmem>>
      %swap3A_129 = arith.constant 0 : index
      %swap3A_130 = tpu.vector_load %swap3A_128[%swap3A_129] {strides = array<i32>} : memref<64xf32, #tpu.memory_space<vmem>>, vector<16xf32>,
      tpu.vector_store %swap3A_128[%swap3A_129], %broadcast_in_dim3A_3 {strides = array<i32>} : memref<64xf32, #tpu.memory_space<vmem>>, vector<16xf32>,
      %swap3A_131 = arith.constant 0 : i32
      %swap3A_132 = tpu.memref_slice %arg8[%scan3A_125, %swap3A_131] : memref<256x64xf32, #tpu.memory_space<vmem>> -> memref<1x64xf32, #tpu.memory_space<vmem>>
      %swap3A_133 = tpu.memref_squeeze %swap3A_132 : memref<1x64xf32, #tpu.memory_space<vmem>> -> memref<64xf32, #tpu.memory_space<vmem>>
      %swap3A_134 = arith.constant 16 : index
      %swap3A_135 = tpu.vector_load %swap3A_133[%swap3A_134] {strides = array<i32>} : memref<64xf32, #tpu.memory_space<vmem>>, vector<16xf32>,
      tpu.vector_store %swap3A_133[%swap3A_134], %broadcast_in_dim3A_3 {strides = array<i32>} : memref<64xf32, #tpu.memory_space<vmem>>, vector<16xf32>,
      %swap3A_136 = arith.constant 0 : i32
      %swap3A_137 = tpu.memref_slice %arg8[%scan3A_125, %swap3A_136] : memref<256x64xf32, #tpu.memory_space<vmem>> -> memref<1x64xf32, #tpu.memory_space<vmem>>
      %swap3A_138 = tpu.memref_squeeze %swap3A_137 : memref<1x64xf32, #tpu.memory_space<vmem>> -> memref<64xf32, #tpu.memory_space<vmem>>
      %swap3A_139 = arith.constant 32 : index
      %swap3A_140 = tpu.vector_load %swap3A_138[%swap3A_139] {strides = array<i32>} : memref<64xf32, #tpu.memory_space<vmem>>, vector<16xf32>,
      tpu.vector_store %swap3A_138[%swap3A_139], %broadcast_in_dim3A_3 {strides = array<i32>} : memref<64xf32, #tpu.memory_space<vmem>>, vector<16xf32>,
      %swap3A_141 = arith.constant 0 : i32
      %swap3A_142 = tpu.memref_slice %arg8[%scan3A_125, %swap3A_141] : memref<256x64xf32, #tpu.memory_space<vmem>> -> memref<1x64xf32, #tpu.memory_space<vmem>>
      %swap3A_143 = tpu.memref_squeeze %swap3A_142 : memref<1x64xf32, #tpu.memory_space<vmem>> -> memref<64xf32, #tpu.memory_space<vmem>>
      %swap3A_144 = arith.constant 48 : index
      %swap3A_145 = tpu.vector_load %swap3A_143[%swap3A_144] {strides = array<i32>} : memref<64xf32, #tpu.memory_space<vmem>>, vector<16xf32>,
      tpu.vector_store %swap3A_143[%swap3A_144], %broadcast_in_dim3A_3 {strides = array<i32>} : memref<64xf32, #tpu.memory_space<vmem>>, vector<16xf32>,
      %scan3A_146 = arith.constant 0 : i32
      %scan3A_147 = arith.constant 3 : i32
      %scan3A_148 = arith.addi %scan3A_79, %scan3A_147 : i32
      %swap3A_149 = arith.constant 0 : i32
      %swap3A_150 = tpu.memref_slice %arg8[%scan3A_148, %swap3A_149] : memref<256x64xf32, #tpu.memory_space<vmem>> -> memref<1x64xf32, #tpu.memory_space<vmem>>
      %swap3A_151 = tpu.memref_squeeze %swap3A_150 : memref<1x64xf32, #tpu.memory_space<vmem>> -> memref<64xf32, #tpu.memory_space<vmem>>
      %swap3A_152 = arith.constant 0 : index
      %swap3A_153 = tpu.vector_load %swap3A_151[%swap3A_152] {strides = array<i32>} : memref<64xf32, #tpu.memory_space<vmem>>, vector<16xf32>,
      tpu.vector_store %swap3A_151[%swap3A_152], %broadcast_in_dim3A_3 {strides = array<i32>} : memref<64xf32, #tpu.memory_space<vmem>>, vector<16xf32>,
      %swap3A_154 = arith.constant 0 : i32
      %swap3A_155 = tpu.memref_slice %arg8[%scan3A_148, %swap3A_154] : memref<256x64xf32, #tpu.memory_space<vmem>> -> memref<1x64xf32, #tpu.memory_space<vmem>>
      %swap3A_156 = tpu.memref_squeeze %swap3A_155 : memref<1x64xf32, #tpu.memory_space<vmem>> -> memref<64xf32, #tpu.memory_space<vmem>>
      %swap3A_157 = arith.constant 16 : index
      %swap3A_158 = tpu.vector_load %swap3A_156[%swap3A_157] {strides = array<i32>} : memref<64xf32, #tpu.memory_space<vmem>>, vector<16xf32>,
      tpu.vector_store %swap3A_156[%swap3A_157], %broadcast_in_dim3A_3 {strides = array<i32>} : memref<64xf32, #tpu.memory_space<vmem>>, vector<16xf32>,
      %swap3A_159 = arith.constant 0 : i32
      %swap3A_160 = tpu.memref_slice %arg8[%scan3A_148, %swap3A_159] : memref<256x64xf32, #tpu.memory_space<vmem>> -> memref<1x64xf32, #tpu.memory_space<vmem>>
      %swap3A_161 = tpu.memref_squeeze %swap3A_160 : memref<1x64xf32, #tpu.memory_space<vmem>> -> memref<64xf32, #tpu.memory_space<vmem>>
      %swap3A_162 = arith.constant 32 : index
      %swap3A_163 = tpu.vector_load %swap3A_161[%swap3A_162] {strides = array<i32>} : memref<64xf32, #tpu.memory_space<vmem>>, vector<16xf32>,
      tpu.vector_store %swap3A_161[%swap3A_162], %broadcast_in_dim3A_3 {strides = array<i32>} : memref<64xf32, #tpu.memory_space<vmem>>, vector<16xf32>,
      %swap3A_164 = arith.constant 0 : i32
      %swap3A_165 = tpu.memref_slice %arg8[%scan3A_148, %swap3A_164] : memref<256x64xf32, #tpu.memory_space<vmem>> -> memref<1x64xf32, #tpu.memory_space<vmem>>
      %swap3A_166 = tpu.memref_squeeze %swap3A_165 : memref<1x64xf32, #tpu.memory_space<vmem>> -> memref<64xf32, #tpu.memory_space<vmem>>
      %swap3A_167 = arith.constant 48 : index
      %swap3A_168 = tpu.vector_load %swap3A_166[%swap3A_167] {strides = array<i32>} : memref<64xf32, #tpu.memory_space<vmem>>, vector<16xf32>,
      tpu.vector_store %swap3A_166[%swap3A_167], %broadcast_in_dim3A_3 {strides = array<i32>} : memref<64xf32, #tpu.memory_space<vmem>>, vector<16xf32>,
      %scan3A_169 = arith.constant 0 : i32
      scf.yield %scan3A_169 : i32
    }
    %scan3A_31 = arith.constant 256 : i32
    %scan3A_32 = arith.constant 0 : i32
    %scan3A_33 = arith.constant 0 : i32
    %scan3A_34 = arith.constant 16 : i32
    %scan3A_35 = arith.addi %scan3A_33, %scan3A_34 : i32
    %scan3A_36 = arith.constant 2 : i32
    %scan3A_37 = scf.for %scan3A_79 = %scan3A_33 to %scan3A_35 step %scan3A_36 iter_args(%scan3A_80 = %scan3A_32) -> (i32)  : i32 {
      %mul3A_81 = arith.constant 16 : i32
      %mul3A_82 = arith.muli %scan3A_79, %mul3A_81 : i32
      %add3A_83 = vector.broadcast %mul3A_82 : i32 to vector<16xi32>
      %add3A_84 = arith.addi %iota3A, %add3A_83 : vector<16xi32>
      %mul3A_85 = arith.constant 16 : i32
      %mul3A_86 = arith.muli %scan3A_79, %mul3A_85 : i32
      %add3A_87 = arith.constant 256 : i32
      %add3A_88 = arith.addi %add3A_87, %mul3A_86 : i32
      %get3A = arith.index_cast %add3A_88 : i32 to index
      %get3A_89 = tpu.vector_load %arg6[%get3A] {strides = array<i32>} : memref<1024xi32, #tpu.memory_space<vmem>>, vector<16xi32>,
      %mul3A_90 = arith.constant 16 : i32
      %mul3A_91 = arith.muli %scan3A_79, %mul3A_90 : i32
      %add3A_92 = arith.constant 256 : i32
      %add3A_93 = arith.addi %add3A_92, %mul3A_91 : i32
      %get3A_94 = arith.index_cast %add3A_93 : i32 to index
      %get3A_95 = tpu.vector_load %arg7[%get3A_94] {strides = array<i32>} : memref<1024xf32, #tpu.memory_space<vmem>>, vector<16xf32>,
      %shift_right_arithmetic3A = arith.constant 6 : i32
      %shift_right_arithmetic3A_96 = vector.broadcast %shift_right_arithmetic3A : i32 to vector<16xi32>
      %shift_right_arithmetic3A_97 = arith.shrsi %get3A_89, %shift_right_arithmetic3A_96 : vector<16xi32>
      %and3A = arith.constant 63 : i32
      %and3A_98 = vector.broadcast %and3A : i32 to vector<16xi32>
      %and3A_99 = arith.andi %get3A_89, %and3A_98 : vector<16xi32>
      tpu.vector_store_idx %arg8[%add3A_84, %shift_right_arithmetic3A_97], %get3A_95 : memref<256x64xf32, #tpu.memory_space<vmem>>[vector<16xi32>, vector<16xi32>], vector<16xf32>,
      %sub3A = arith.constant 1.000000e+00 : f32
      %sub3A_100 = vector.broadcast %sub3A : f32 to vector<16xf32>
      %sub3A_101 = arith.subf %sub3A_100, %get3A_95 : vector<16xf32>
      tpu.vector_store_idx %arg8[%add3A_84, %and3A_99], %sub3A_101 : memref<256x64xf32, #tpu.memory_space<vmem>>[vector<16xi32>, vector<16xi32>], vector<16xf32>,
      tpu.vector_store_idx %arg9[%add3A_84, %broadcast_in_dim3A_5], %shift_right_arithmetic3A_97 : memref<256x2xi32, #tpu.memory_space<vmem>>[vector<16xi32>, vector<16xi32>], vector<16xi32>,
      tpu.vector_store_idx %arg9[%add3A_84, %broadcast_in_dim3A_7], %and3A_99 : memref<256x2xi32, #tpu.memory_space<vmem>>[vector<16xi32>, vector<16xi32>], vector<16xi32>,
      %scan3A_102 = arith.constant 0 : i32
      %scan3A_103 = arith.constant 1 : i32
      %scan3A_104 = arith.addi %scan3A_79, %scan3A_103 : i32
      %mul3A_105 = arith.constant 16 : i32
      %mul3A_106 = arith.muli %scan3A_104, %mul3A_105 : i32
      %add3A_107 = vector.broadcast %mul3A_106 : i32 to vector<16xi32>
      %add3A_108 = arith.addi %iota3A, %add3A_107 : vector<16xi32>
      %mul3A_109 = arith.constant 16 : i32
      %mul3A_110 = arith.muli %scan3A_104, %mul3A_109 : i32
      %add3A_111 = arith.constant 256 : i32
      %add3A_112 = arith.addi %add3A_111, %mul3A_110 : i32
      %get3A_113 = arith.index_cast %add3A_112 : i32 to index
      %get3A_114 = tpu.vector_load %arg6[%get3A_113] {strides = array<i32>} : memref<1024xi32, #tpu.memory_space<vmem>>, vector<16xi32>,
      %mul3A_115 = arith.constant 16 : i32
      %mul3A_116 = arith.muli %scan3A_104, %mul3A_115 : i32
      %add3A_117 = arith.constant 256 : i32
      %add3A_118 = arith.addi %add3A_117, %mul3A_116 : i32
      %get3A_119 = arith.index_cast %add3A_118 : i32 to index
      %get3A_120 = tpu.vector_load %arg7[%get3A_119] {strides = array<i32>} : memref<1024xf32, #tpu.memory_space<vmem>>, vector<16xf32>,
      %shift_right_arithmetic3A_121 = arith.constant 6 : i32
      %shift_right_arithmetic3A_122 = vector.broadcast %shift_right_arithmetic3A_121 : i32 to vector<16xi32>
      %shift_right_arithmetic3A_123 = arith.shrsi %get3A_114, %shift_right_arithmetic3A_122 : vector<16xi32>
      %and3A_124 = arith.constant 63 : i32
      %and3A_125 = vector.broadcast %and3A_124 : i32 to vector<16xi32>
      %and3A_126 = arith.andi %get3A_114, %and3A_125 : vector<16xi32>
      tpu.vector_store_idx %arg8[%add3A_108, %shift_right_arithmetic3A_123], %get3A_120 : memref<256x64xf32, #tpu.memory_space<vmem>>[vector<16xi32>, vector<16xi32>], vector<16xf32>,
      %sub3A_127 = arith.constant 1.000000e+00 : f32
      %sub3A_128 = vector.broadcast %sub3A_127 : f32 to vector<16xf32>
      %sub3A_129 = arith.subf %sub3A_128, %get3A_120 : vector<16xf32>
      tpu.vector_store_idx %arg8[%add3A_108, %and3A_126], %sub3A_129 : memref<256x64xf32, #tpu.memory_space<vmem>>[vector<16xi32>, vector<16xi32>], vector<16xf32>,
      tpu.vector_store_idx %arg9[%add3A_108, %broadcast_in_dim3A_5], %shift_right_arithmetic3A_123 : memref<256x2xi32, #tpu.memory_space<vmem>>[vector<16xi32>, vector<16xi32>], vector<16xi32>,
      tpu.vector_store_idx %arg9[%add3A_108, %broadcast_in_dim3A_7], %and3A_126 : memref<256x2xi32, #tpu.memory_space<vmem>>[vector<16xi32>, vector<16xi32>], vector<16xi32>,
      %scan3A_130 = arith.constant 0 : i32
      scf.yield %scan3A_130 : i32
    }
    %scan3A_38 = arith.constant 16 : i32
    %add3A_39 = arith.constant 256 : i32
    %add3A_40 = arith.addi %mul3A_2, %add3A_39 : i32
    "tpu.region"() ({
      %run_scoped3A = tpu.sem_alloc : memref<!tpu.dma_semaphore, #tpu.memory_space<semaphore_mem>>
      %dma_start3A = arith.constant 0 : i32
      %dma_start3A_79 = tpu.memref_slice %arg4[%add3A_40, %dma_start3A] : memref<32768x64xf32, #tpu.memory_space<hbm>> -> memref<256x64xf32, #tpu.memory_space<hbm>>
      %dma_start3A_80 = arith.constant 0 : i32
      %dma_start3A_81 = tpu.memref_slice %arg4[%add3A_40, %dma_start3A_80] : memref<32768x64xf32, #tpu.memory_space<hbm>> -> memref<256x64xf32, #tpu.memory_space<hbm>>
      tpu.enqueue_dma source(%arg8 : memref<256x64xf32, #tpu.memory_space<vmem>>) target(%dma_start3A_81 : memref<256x64xf32, #tpu.memory_space<hbm>>) target_semaphore(%run_scoped3A : memref<!tpu.dma_semaphore, #tpu.memory_space<semaphore_mem>>)
      %dma_wait3A = arith.constant 0 : i32
      %dma_wait3A_82 = tpu.memref_slice %arg4[%add3A_40, %dma_wait3A] : memref<32768x64xf32, #tpu.memory_space<hbm>> -> memref<256x64xf32, #tpu.memory_space<hbm>>
      %dma_wait3A_83 = arith.constant 0 : i32
      %dma_wait3A_84 = tpu.memref_slice %arg4[%add3A_40, %dma_wait3A_83] : memref<32768x64xf32, #tpu.memory_space<hbm>> -> memref<256x64xf32, #tpu.memory_space<hbm>>
      tpu.wait_dma2 semaphore(%run_scoped3A : memref<!tpu.dma_semaphore, #tpu.memory_space<semaphore_mem>>) src(%arg8 : memref<256x64xf32, #tpu.memory_space<vmem>>) dst(%dma_wait3A_84 : memref<256x64xf32, #tpu.memory_space<hbm>>)
      tpu.yield
    }) : () -> ()
    %add3A_41 = arith.constant 256 : i32
    %add3A_42 = arith.addi %mul3A_2, %add3A_41 : i32
    "tpu.region"() ({
      %run_scoped3A = tpu.sem_alloc : memref<!tpu.dma_semaphore, #tpu.memory_space<semaphore_mem>>
      %dma_start3A = arith.constant 0 : i32
      %dma_start3A_79 = tpu.memref_slice %arg5[%add3A_42, %dma_start3A] : memref<32768x2xi32, #tpu.memory_space<hbm>> -> memref<256x2xi32, #tpu.memory_space<hbm>>
      %dma_start3A_80 = arith.constant 0 : i32
      %dma_start3A_81 = tpu.memref_slice %arg5[%add3A_42, %dma_start3A_80] : memref<32768x2xi32, #tpu.memory_space<hbm>> -> memref<256x2xi32, #tpu.memory_space<hbm>>
      tpu.enqueue_dma source(%arg9 : memref<256x2xi32, #tpu.memory_space<vmem>>) target(%dma_start3A_81 : memref<256x2xi32, #tpu.memory_space<hbm>>) target_semaphore(%run_scoped3A : memref<!tpu.dma_semaphore, #tpu.memory_space<semaphore_mem>>)
      %dma_wait3A = arith.constant 0 : i32
      %dma_wait3A_82 = tpu.memref_slice %arg5[%add3A_42, %dma_wait3A] : memref<32768x2xi32, #tpu.memory_space<hbm>> -> memref<256x2xi32, #tpu.memory_space<hbm>>
      %dma_wait3A_83 = arith.constant 0 : i32
      %dma_wait3A_84 = tpu.memref_slice %arg5[%add3A_42, %dma_wait3A_83] : memref<32768x2xi32, #tpu.memory_space<hbm>> -> memref<256x2xi32, #tpu.memory_space<hbm>>
      tpu.wait_dma2 semaphore(%run_scoped3A : memref<!tpu.dma_semaphore, #tpu.memory_space<semaphore_mem>>) src(%arg9 : memref<256x2xi32, #tpu.memory_space<vmem>>) dst(%dma_wait3A_84 : memref<256x2xi32, #tpu.memory_space<hbm>>)
      tpu.yield
    }) : () -> ()
    %scan3A_43 = arith.constant 0 : i32
    %scan3A_44 = arith.constant 0 : i32
    %scan3A_45 = arith.constant 256 : i32
    %scan3A_46 = arith.addi %scan3A_44, %scan3A_45 : i32
    %scan3A_47 = arith.constant 4 : i32
    %scan3A_48 = scf.for %scan3A_79 = %scan3A_44 to %scan3A_46 step %scan3A_47 iter_args(%scan3A_80 = %scan3A_43) -> (i32)  : i32 {
      %swap3A = arith.constant 0 : i32
      %swap3A_81 = tpu.memref_slice %arg8[%scan3A_79, %swap3A] : memref<256x64xf32, #tpu.memory_space<vmem>> -> memref<1x64xf32, #tpu.memory_space<vmem>>
      %swap3A_82 = tpu.memref_squeeze %swap3A_81 : memref<1x64xf32, #tpu.memory_space<vmem>> -> memref<64xf32, #tpu.memory_space<vmem>>
      %swap3A_83 = arith.constant 0 : index
      %swap3A_84 = tpu.vector_load %swap3A_82[%swap3A_83] {strides = array<i32>} : memref<64xf32, #tpu.memory_space<vmem>>, vector<16xf32>,
      tpu.vector_store %swap3A_82[%swap3A_83], %broadcast_in_dim3A_3 {strides = array<i32>} : memref<64xf32, #tpu.memory_space<vmem>>, vector<16xf32>,
      %swap3A_85 = arith.constant 0 : i32
      %swap3A_86 = tpu.memref_slice %arg8[%scan3A_79, %swap3A_85] : memref<256x64xf32, #tpu.memory_space<vmem>> -> memref<1x64xf32, #tpu.memory_space<vmem>>
      %swap3A_87 = tpu.memref_squeeze %swap3A_86 : memref<1x64xf32, #tpu.memory_space<vmem>> -> memref<64xf32, #tpu.memory_space<vmem>>
      %swap3A_88 = arith.constant 16 : index
      %swap3A_89 = tpu.vector_load %swap3A_87[%swap3A_88] {strides = array<i32>} : memref<64xf32, #tpu.memory_space<vmem>>, vector<16xf32>,
      tpu.vector_store %swap3A_87[%swap3A_88], %broadcast_in_dim3A_3 {strides = array<i32>} : memref<64xf32, #tpu.memory_space<vmem>>, vector<16xf32>,
      %swap3A_90 = arith.constant 0 : i32
      %swap3A_91 = tpu.memref_slice %arg8[%scan3A_79, %swap3A_90] : memref<256x64xf32, #tpu.memory_space<vmem>> -> memref<1x64xf32, #tpu.memory_space<vmem>>
      %swap3A_92 = tpu.memref_squeeze %swap3A_91 : memref<1x64xf32, #tpu.memory_space<vmem>> -> memref<64xf32, #tpu.memory_space<vmem>>
      %swap3A_93 = arith.constant 32 : index
      %swap3A_94 = tpu.vector_load %swap3A_92[%swap3A_93] {strides = array<i32>} : memref<64xf32, #tpu.memory_space<vmem>>, vector<16xf32>,
      tpu.vector_store %swap3A_92[%swap3A_93], %broadcast_in_dim3A_3 {strides = array<i32>} : memref<64xf32, #tpu.memory_space<vmem>>, vector<16xf32>,
      %swap3A_95 = arith.constant 0 : i32
      %swap3A_96 = tpu.memref_slice %arg8[%scan3A_79, %swap3A_95] : memref<256x64xf32, #tpu.memory_space<vmem>> -> memref<1x64xf32, #tpu.memory_space<vmem>>
      %swap3A_97 = tpu.memref_squeeze %swap3A_96 : memref<1x64xf32, #tpu.memory_space<vmem>> -> memref<64xf32, #tpu.memory_space<vmem>>
      %swap3A_98 = arith.constant 48 : index
      %swap3A_99 = tpu.vector_load %swap3A_97[%swap3A_98] {strides = array<i32>} : memref<64xf32, #tpu.memory_space<vmem>>, vector<16xf32>,
      tpu.vector_store %swap3A_97[%swap3A_98], %broadcast_in_dim3A_3 {strides = array<i32>} : memref<64xf32, #tpu.memory_space<vmem>>, vector<16xf32>,
      %scan3A_100 = arith.constant 0 : i32
      %scan3A_101 = arith.constant 1 : i32
      %scan3A_102 = arith.addi %scan3A_79, %scan3A_101 : i32
      %swap3A_103 = arith.constant 0 : i32
      %swap3A_104 = tpu.memref_slice %arg8[%scan3A_102, %swap3A_103] : memref<256x64xf32, #tpu.memory_space<vmem>> -> memref<1x64xf32, #tpu.memory_space<vmem>>
      %swap3A_105 = tpu.memref_squeeze %swap3A_104 : memref<1x64xf32, #tpu.memory_space<vmem>> -> memref<64xf32, #tpu.memory_space<vmem>>
      %swap3A_106 = arith.constant 0 : index
      %swap3A_107 = tpu.vector_load %swap3A_105[%swap3A_106] {strides = array<i32>} : memref<64xf32, #tpu.memory_space<vmem>>, vector<16xf32>,
      tpu.vector_store %swap3A_105[%swap3A_106], %broadcast_in_dim3A_3 {strides = array<i32>} : memref<64xf32, #tpu.memory_space<vmem>>, vector<16xf32>,
      %swap3A_108 = arith.constant 0 : i32
      %swap3A_109 = tpu.memref_slice %arg8[%scan3A_102, %swap3A_108] : memref<256x64xf32, #tpu.memory_space<vmem>> -> memref<1x64xf32, #tpu.memory_space<vmem>>
      %swap3A_110 = tpu.memref_squeeze %swap3A_109 : memref<1x64xf32, #tpu.memory_space<vmem>> -> memref<64xf32, #tpu.memory_space<vmem>>
      %swap3A_111 = arith.constant 16 : index
      %swap3A_112 = tpu.vector_load %swap3A_110[%swap3A_111] {strides = array<i32>} : memref<64xf32, #tpu.memory_space<vmem>>, vector<16xf32>,
      tpu.vector_store %swap3A_110[%swap3A_111], %broadcast_in_dim3A_3 {strides = array<i32>} : memref<64xf32, #tpu.memory_space<vmem>>, vector<16xf32>,
      %swap3A_113 = arith.constant 0 : i32
      %swap3A_114 = tpu.memref_slice %arg8[%scan3A_102, %swap3A_113] : memref<256x64xf32, #tpu.memory_space<vmem>> -> memref<1x64xf32, #tpu.memory_space<vmem>>
      %swap3A_115 = tpu.memref_squeeze %swap3A_114 : memref<1x64xf32, #tpu.memory_space<vmem>> -> memref<64xf32, #tpu.memory_space<vmem>>
      %swap3A_116 = arith.constant 32 : index
      %swap3A_117 = tpu.vector_load %swap3A_115[%swap3A_116] {strides = array<i32>} : memref<64xf32, #tpu.memory_space<vmem>>, vector<16xf32>,
      tpu.vector_store %swap3A_115[%swap3A_116], %broadcast_in_dim3A_3 {strides = array<i32>} : memref<64xf32, #tpu.memory_space<vmem>>, vector<16xf32>,
      %swap3A_118 = arith.constant 0 : i32
      %swap3A_119 = tpu.memref_slice %arg8[%scan3A_102, %swap3A_118] : memref<256x64xf32, #tpu.memory_space<vmem>> -> memref<1x64xf32, #tpu.memory_space<vmem>>
      %swap3A_120 = tpu.memref_squeeze %swap3A_119 : memref<1x64xf32, #tpu.memory_space<vmem>> -> memref<64xf32, #tpu.memory_space<vmem>>
      %swap3A_121 = arith.constant 48 : index
      %swap3A_122 = tpu.vector_load %swap3A_120[%swap3A_121] {strides = array<i32>} : memref<64xf32, #tpu.memory_space<vmem>>, vector<16xf32>,
      tpu.vector_store %swap3A_120[%swap3A_121], %broadcast_in_dim3A_3 {strides = array<i32>} : memref<64xf32, #tpu.memory_space<vmem>>, vector<16xf32>,
      %scan3A_123 = arith.constant 0 : i32
      %scan3A_124 = arith.constant 2 : i32
      %scan3A_125 = arith.addi %scan3A_79, %scan3A_124 : i32
      %swap3A_126 = arith.constant 0 : i32
      %swap3A_127 = tpu.memref_slice %arg8[%scan3A_125, %swap3A_126] : memref<256x64xf32, #tpu.memory_space<vmem>> -> memref<1x64xf32, #tpu.memory_space<vmem>>
      %swap3A_128 = tpu.memref_squeeze %swap3A_127 : memref<1x64xf32, #tpu.memory_space<vmem>> -> memref<64xf32, #tpu.memory_space<vmem>>
      %swap3A_129 = arith.constant 0 : index
      %swap3A_130 = tpu.vector_load %swap3A_128[%swap3A_129] {strides = array<i32>} : memref<64xf32, #tpu.memory_space<vmem>>, vector<16xf32>,
      tpu.vector_store %swap3A_128[%swap3A_129], %broadcast_in_dim3A_3 {strides = array<i32>} : memref<64xf32, #tpu.memory_space<vmem>>, vector<16xf32>,
      %swap3A_131 = arith.constant 0 : i32
      %swap3A_132 = tpu.memref_slice %arg8[%scan3A_125, %swap3A_131] : memref<256x64xf32, #tpu.memory_space<vmem>> -> memref<1x64xf32, #tpu.memory_space<vmem>>
      %swap3A_133 = tpu.memref_squeeze %swap3A_132 : memref<1x64xf32, #tpu.memory_space<vmem>> -> memref<64xf32, #tpu.memory_space<vmem>>
      %swap3A_134 = arith.constant 16 : index
      %swap3A_135 = tpu.vector_load %swap3A_133[%swap3A_134] {strides = array<i32>} : memref<64xf32, #tpu.memory_space<vmem>>, vector<16xf32>,
      tpu.vector_store %swap3A_133[%swap3A_134], %broadcast_in_dim3A_3 {strides = array<i32>} : memref<64xf32, #tpu.memory_space<vmem>>, vector<16xf32>,
      %swap3A_136 = arith.constant 0 : i32
      %swap3A_137 = tpu.memref_slice %arg8[%scan3A_125, %swap3A_136] : memref<256x64xf32, #tpu.memory_space<vmem>> -> memref<1x64xf32, #tpu.memory_space<vmem>>
      %swap3A_138 = tpu.memref_squeeze %swap3A_137 : memref<1x64xf32, #tpu.memory_space<vmem>> -> memref<64xf32, #tpu.memory_space<vmem>>
      %swap3A_139 = arith.constant 32 : index
      %swap3A_140 = tpu.vector_load %swap3A_138[%swap3A_139] {strides = array<i32>} : memref<64xf32, #tpu.memory_space<vmem>>, vector<16xf32>,
      tpu.vector_store %swap3A_138[%swap3A_139], %broadcast_in_dim3A_3 {strides = array<i32>} : memref<64xf32, #tpu.memory_space<vmem>>, vector<16xf32>,
      %swap3A_141 = arith.constant 0 : i32
      %swap3A_142 = tpu.memref_slice %arg8[%scan3A_125, %swap3A_141] : memref<256x64xf32, #tpu.memory_space<vmem>> -> memref<1x64xf32, #tpu.memory_space<vmem>>
      %swap3A_143 = tpu.memref_squeeze %swap3A_142 : memref<1x64xf32, #tpu.memory_space<vmem>> -> memref<64xf32, #tpu.memory_space<vmem>>
      %swap3A_144 = arith.constant 48 : index
      %swap3A_145 = tpu.vector_load %swap3A_143[%swap3A_144] {strides = array<i32>} : memref<64xf32, #tpu.memory_space<vmem>>, vector<16xf32>,
      tpu.vector_store %swap3A_143[%swap3A_144], %broadcast_in_dim3A_3 {strides = array<i32>} : memref<64xf32, #tpu.memory_space<vmem>>, vector<16xf32>,
      %scan3A_146 = arith.constant 0 : i32
      %scan3A_147 = arith.constant 3 : i32
      %scan3A_148 = arith.addi %scan3A_79, %scan3A_147 : i32
      %swap3A_149 = arith.constant 0 : i32
      %swap3A_150 = tpu.memref_slice %arg8[%scan3A_148, %swap3A_149] : memref<256x64xf32, #tpu.memory_space<vmem>> -> memref<1x64xf32, #tpu.memory_space<vmem>>
      %swap3A_151 = tpu.memref_squeeze %swap3A_150 : memref<1x64xf32, #tpu.memory_space<vmem>> -> memref<64xf32, #tpu.memory_space<vmem>>
      %swap3A_152 = arith.constant 0 : index
      %swap3A_153 = tpu.vector_load %swap3A_151[%swap3A_152] {strides = array<i32>} : memref<64xf32, #tpu.memory_space<vmem>>, vector<16xf32>,
      tpu.vector_store %swap3A_151[%swap3A_152], %broadcast_in_dim3A_3 {strides = array<i32>} : memref<64xf32, #tpu.memory_space<vmem>>, vector<16xf32>,
      %swap3A_154 = arith.constant 0 : i32
      %swap3A_155 = tpu.memref_slice %arg8[%scan3A_148, %swap3A_154] : memref<256x64xf32, #tpu.memory_space<vmem>> -> memref<1x64xf32, #tpu.memory_space<vmem>>
      %swap3A_156 = tpu.memref_squeeze %swap3A_155 : memref<1x64xf32, #tpu.memory_space<vmem>> -> memref<64xf32, #tpu.memory_space<vmem>>
      %swap3A_157 = arith.constant 16 : index
      %swap3A_158 = tpu.vector_load %swap3A_156[%swap3A_157] {strides = array<i32>} : memref<64xf32, #tpu.memory_space<vmem>>, vector<16xf32>,
      tpu.vector_store %swap3A_156[%swap3A_157], %broadcast_in_dim3A_3 {strides = array<i32>} : memref<64xf32, #tpu.memory_space<vmem>>, vector<16xf32>,
      %swap3A_159 = arith.constant 0 : i32
      %swap3A_160 = tpu.memref_slice %arg8[%scan3A_148, %swap3A_159] : memref<256x64xf32, #tpu.memory_space<vmem>> -> memref<1x64xf32, #tpu.memory_space<vmem>>
      %swap3A_161 = tpu.memref_squeeze %swap3A_160 : memref<1x64xf32, #tpu.memory_space<vmem>> -> memref<64xf32, #tpu.memory_space<vmem>>
      %swap3A_162 = arith.constant 32 : index
      %swap3A_163 = tpu.vector_load %swap3A_161[%swap3A_162] {strides = array<i32>} : memref<64xf32, #tpu.memory_space<vmem>>, vector<16xf32>,
      tpu.vector_store %swap3A_161[%swap3A_162], %broadcast_in_dim3A_3 {strides = array<i32>} : memref<64xf32, #tpu.memory_space<vmem>>, vector<16xf32>,
      %swap3A_164 = arith.constant 0 : i32
      %swap3A_165 = tpu.memref_slice %arg8[%scan3A_148, %swap3A_164] : memref<256x64xf32, #tpu.memory_space<vmem>> -> memref<1x64xf32, #tpu.memory_space<vmem>>
      %swap3A_166 = tpu.memref_squeeze %swap3A_165 : memref<1x64xf32, #tpu.memory_space<vmem>> -> memref<64xf32, #tpu.memory_space<vmem>>
      %swap3A_167 = arith.constant 48 : index
      %swap3A_168 = tpu.vector_load %swap3A_166[%swap3A_167] {strides = array<i32>} : memref<64xf32, #tpu.memory_space<vmem>>, vector<16xf32>,
      tpu.vector_store %swap3A_166[%swap3A_167], %broadcast_in_dim3A_3 {strides = array<i32>} : memref<64xf32, #tpu.memory_space<vmem>>, vector<16xf32>,
      %scan3A_169 = arith.constant 0 : i32
      scf.yield %scan3A_169 : i32
    }
    %scan3A_49 = arith.constant 256 : i32
    %scan3A_50 = arith.constant 0 : i32
    %scan3A_51 = arith.constant 0 : i32
    %scan3A_52 = arith.constant 16 : i32
    %scan3A_53 = arith.addi %scan3A_51, %scan3A_52 : i32
    %scan3A_54 = arith.constant 2 : i32
    %scan3A_55 = scf.for %scan3A_79 = %scan3A_51 to %scan3A_53 step %scan3A_54 iter_args(%scan3A_80 = %scan3A_50) -> (i32)  : i32 {
      %mul3A_81 = arith.constant 16 : i32
      %mul3A_82 = arith.muli %scan3A_79, %mul3A_81 : i32
      %add3A_83 = vector.broadcast %mul3A_82 : i32 to vector<16xi32>
      %add3A_84 = arith.addi %iota3A, %add3A_83 : vector<16xi32>
      %mul3A_85 = arith.constant 16 : i32
      %mul3A_86 = arith.muli %scan3A_79, %mul3A_85 : i32
      %add3A_87 = arith.constant 512 : i32
      %add3A_88 = arith.addi %add3A_87, %mul3A_86 : i32
      %get3A = arith.index_cast %add3A_88 : i32 to index
      %get3A_89 = tpu.vector_load %arg6[%get3A] {strides = array<i32>} : memref<1024xi32, #tpu.memory_space<vmem>>, vector<16xi32>,
      %mul3A_90 = arith.constant 16 : i32
      %mul3A_91 = arith.muli %scan3A_79, %mul3A_90 : i32
      %add3A_92 = arith.constant 512 : i32
      %add3A_93 = arith.addi %add3A_92, %mul3A_91 : i32
      %get3A_94 = arith.index_cast %add3A_93 : i32 to index
      %get3A_95 = tpu.vector_load %arg7[%get3A_94] {strides = array<i32>} : memref<1024xf32, #tpu.memory_space<vmem>>, vector<16xf32>,
      %shift_right_arithmetic3A = arith.constant 6 : i32
      %shift_right_arithmetic3A_96 = vector.broadcast %shift_right_arithmetic3A : i32 to vector<16xi32>
      %shift_right_arithmetic3A_97 = arith.shrsi %get3A_89, %shift_right_arithmetic3A_96 : vector<16xi32>
      %and3A = arith.constant 63 : i32
      %and3A_98 = vector.broadcast %and3A : i32 to vector<16xi32>
      %and3A_99 = arith.andi %get3A_89, %and3A_98 : vector<16xi32>
      tpu.vector_store_idx %arg8[%add3A_84, %shift_right_arithmetic3A_97], %get3A_95 : memref<256x64xf32, #tpu.memory_space<vmem>>[vector<16xi32>, vector<16xi32>], vector<16xf32>,
      %sub3A = arith.constant 1.000000e+00 : f32
      %sub3A_100 = vector.broadcast %sub3A : f32 to vector<16xf32>
      %sub3A_101 = arith.subf %sub3A_100, %get3A_95 : vector<16xf32>
      tpu.vector_store_idx %arg8[%add3A_84, %and3A_99], %sub3A_101 : memref<256x64xf32, #tpu.memory_space<vmem>>[vector<16xi32>, vector<16xi32>], vector<16xf32>,
      tpu.vector_store_idx %arg9[%add3A_84, %broadcast_in_dim3A_5], %shift_right_arithmetic3A_97 : memref<256x2xi32, #tpu.memory_space<vmem>>[vector<16xi32>, vector<16xi32>], vector<16xi32>,
      tpu.vector_store_idx %arg9[%add3A_84, %broadcast_in_dim3A_7], %and3A_99 : memref<256x2xi32, #tpu.memory_space<vmem>>[vector<16xi32>, vector<16xi32>], vector<16xi32>,
      %scan3A_102 = arith.constant 0 : i32
      %scan3A_103 = arith.constant 1 : i32
      %scan3A_104 = arith.addi %scan3A_79, %scan3A_103 : i32
      %mul3A_105 = arith.constant 16 : i32
      %mul3A_106 = arith.muli %scan3A_104, %mul3A_105 : i32
      %add3A_107 = vector.broadcast %mul3A_106 : i32 to vector<16xi32>
      %add3A_108 = arith.addi %iota3A, %add3A_107 : vector<16xi32>
      %mul3A_109 = arith.constant 16 : i32
      %mul3A_110 = arith.muli %scan3A_104, %mul3A_109 : i32
      %add3A_111 = arith.constant 512 : i32
      %add3A_112 = arith.addi %add3A_111, %mul3A_110 : i32
      %get3A_113 = arith.index_cast %add3A_112 : i32 to index
      %get3A_114 = tpu.vector_load %arg6[%get3A_113] {strides = array<i32>} : memref<1024xi32, #tpu.memory_space<vmem>>, vector<16xi32>,
      %mul3A_115 = arith.constant 16 : i32
      %mul3A_116 = arith.muli %scan3A_104, %mul3A_115 : i32
      %add3A_117 = arith.constant 512 : i32
      %add3A_118 = arith.addi %add3A_117, %mul3A_116 : i32
      %get3A_119 = arith.index_cast %add3A_118 : i32 to index
      %get3A_120 = tpu.vector_load %arg7[%get3A_119] {strides = array<i32>} : memref<1024xf32, #tpu.memory_space<vmem>>, vector<16xf32>,
      %shift_right_arithmetic3A_121 = arith.constant 6 : i32
      %shift_right_arithmetic3A_122 = vector.broadcast %shift_right_arithmetic3A_121 : i32 to vector<16xi32>
      %shift_right_arithmetic3A_123 = arith.shrsi %get3A_114, %shift_right_arithmetic3A_122 : vector<16xi32>
      %and3A_124 = arith.constant 63 : i32
      %and3A_125 = vector.broadcast %and3A_124 : i32 to vector<16xi32>
      %and3A_126 = arith.andi %get3A_114, %and3A_125 : vector<16xi32>
      tpu.vector_store_idx %arg8[%add3A_108, %shift_right_arithmetic3A_123], %get3A_120 : memref<256x64xf32, #tpu.memory_space<vmem>>[vector<16xi32>, vector<16xi32>], vector<16xf32>,
      %sub3A_127 = arith.constant 1.000000e+00 : f32
      %sub3A_128 = vector.broadcast %sub3A_127 : f32 to vector<16xf32>
      %sub3A_129 = arith.subf %sub3A_128, %get3A_120 : vector<16xf32>
      tpu.vector_store_idx %arg8[%add3A_108, %and3A_126], %sub3A_129 : memref<256x64xf32, #tpu.memory_space<vmem>>[vector<16xi32>, vector<16xi32>], vector<16xf32>,
      tpu.vector_store_idx %arg9[%add3A_108, %broadcast_in_dim3A_5], %shift_right_arithmetic3A_123 : memref<256x2xi32, #tpu.memory_space<vmem>>[vector<16xi32>, vector<16xi32>], vector<16xi32>,
      tpu.vector_store_idx %arg9[%add3A_108, %broadcast_in_dim3A_7], %and3A_126 : memref<256x2xi32, #tpu.memory_space<vmem>>[vector<16xi32>, vector<16xi32>], vector<16xi32>,
      %scan3A_130 = arith.constant 0 : i32
      scf.yield %scan3A_130 : i32
    }
    %scan3A_56 = arith.constant 16 : i32
    %add3A_57 = arith.constant 512 : i32
    %add3A_58 = arith.addi %mul3A_2, %add3A_57 : i32
    "tpu.region"() ({
      %run_scoped3A = tpu.sem_alloc : memref<!tpu.dma_semaphore, #tpu.memory_space<semaphore_mem>>
      %dma_start3A = arith.constant 0 : i32
      %dma_start3A_79 = tpu.memref_slice %arg4[%add3A_58, %dma_start3A] : memref<32768x64xf32, #tpu.memory_space<hbm>> -> memref<256x64xf32, #tpu.memory_space<hbm>>
      %dma_start3A_80 = arith.constant 0 : i32
      %dma_start3A_81 = tpu.memref_slice %arg4[%add3A_58, %dma_start3A_80] : memref<32768x64xf32, #tpu.memory_space<hbm>> -> memref<256x64xf32, #tpu.memory_space<hbm>>
      tpu.enqueue_dma source(%arg8 : memref<256x64xf32, #tpu.memory_space<vmem>>) target(%dma_start3A_81 : memref<256x64xf32, #tpu.memory_space<hbm>>) target_semaphore(%run_scoped3A : memref<!tpu.dma_semaphore, #tpu.memory_space<semaphore_mem>>)
      %dma_wait3A = arith.constant 0 : i32
      %dma_wait3A_82 = tpu.memref_slice %arg4[%add3A_58, %dma_wait3A] : memref<32768x64xf32, #tpu.memory_space<hbm>> -> memref<256x64xf32, #tpu.memory_space<hbm>>
      %dma_wait3A_83 = arith.constant 0 : i32
      %dma_wait3A_84 = tpu.memref_slice %arg4[%add3A_58, %dma_wait3A_83] : memref<32768x64xf32, #tpu.memory_space<hbm>> -> memref<256x64xf32, #tpu.memory_space<hbm>>
      tpu.wait_dma2 semaphore(%run_scoped3A : memref<!tpu.dma_semaphore, #tpu.memory_space<semaphore_mem>>) src(%arg8 : memref<256x64xf32, #tpu.memory_space<vmem>>) dst(%dma_wait3A_84 : memref<256x64xf32, #tpu.memory_space<hbm>>)
      tpu.yield
    }) : () -> ()
    %add3A_59 = arith.constant 512 : i32
    %add3A_60 = arith.addi %mul3A_2, %add3A_59 : i32
    "tpu.region"() ({
      %run_scoped3A = tpu.sem_alloc : memref<!tpu.dma_semaphore, #tpu.memory_space<semaphore_mem>>
      %dma_start3A = arith.constant 0 : i32
      %dma_start3A_79 = tpu.memref_slice %arg5[%add3A_60, %dma_start3A] : memref<32768x2xi32, #tpu.memory_space<hbm>> -> memref<256x2xi32, #tpu.memory_space<hbm>>
      %dma_start3A_80 = arith.constant 0 : i32
      %dma_start3A_81 = tpu.memref_slice %arg5[%add3A_60, %dma_start3A_80] : memref<32768x2xi32, #tpu.memory_space<hbm>> -> memref<256x2xi32, #tpu.memory_space<hbm>>
      tpu.enqueue_dma source(%arg9 : memref<256x2xi32, #tpu.memory_space<vmem>>) target(%dma_start3A_81 : memref<256x2xi32, #tpu.memory_space<hbm>>) target_semaphore(%run_scoped3A : memref<!tpu.dma_semaphore, #tpu.memory_space<semaphore_mem>>)
      %dma_wait3A = arith.constant 0 : i32
      %dma_wait3A_82 = tpu.memref_slice %arg5[%add3A_60, %dma_wait3A] : memref<32768x2xi32, #tpu.memory_space<hbm>> -> memref<256x2xi32, #tpu.memory_space<hbm>>
      %dma_wait3A_83 = arith.constant 0 : i32
      %dma_wait3A_84 = tpu.memref_slice %arg5[%add3A_60, %dma_wait3A_83] : memref<32768x2xi32, #tpu.memory_space<hbm>> -> memref<256x2xi32, #tpu.memory_space<hbm>>
      tpu.wait_dma2 semaphore(%run_scoped3A : memref<!tpu.dma_semaphore, #tpu.memory_space<semaphore_mem>>) src(%arg9 : memref<256x2xi32, #tpu.memory_space<vmem>>) dst(%dma_wait3A_84 : memref<256x2xi32, #tpu.memory_space<hbm>>)
      tpu.yield
    }) : () -> ()
    %scan3A_61 = arith.constant 0 : i32
    %scan3A_62 = arith.constant 0 : i32
    %scan3A_63 = arith.constant 256 : i32
    %scan3A_64 = arith.addi %scan3A_62, %scan3A_63 : i32
    %scan3A_65 = arith.constant 4 : i32
    %scan3A_66 = scf.for %scan3A_79 = %scan3A_62 to %scan3A_64 step %scan3A_65 iter_args(%scan3A_80 = %scan3A_61) -> (i32)  : i32 {
      %swap3A = arith.constant 0 : i32
      %swap3A_81 = tpu.memref_slice %arg8[%scan3A_79, %swap3A] : memref<256x64xf32, #tpu.memory_space<vmem>> -> memref<1x64xf32, #tpu.memory_space<vmem>>
      %swap3A_82 = tpu.memref_squeeze %swap3A_81 : memref<1x64xf32, #tpu.memory_space<vmem>> -> memref<64xf32, #tpu.memory_space<vmem>>
      %swap3A_83 = arith.constant 0 : index
      %swap3A_84 = tpu.vector_load %swap3A_82[%swap3A_83] {strides = array<i32>} : memref<64xf32, #tpu.memory_space<vmem>>, vector<16xf32>,
      tpu.vector_store %swap3A_82[%swap3A_83], %broadcast_in_dim3A_3 {strides = array<i32>} : memref<64xf32, #tpu.memory_space<vmem>>, vector<16xf32>,
      %swap3A_85 = arith.constant 0 : i32
      %swap3A_86 = tpu.memref_slice %arg8[%scan3A_79, %swap3A_85] : memref<256x64xf32, #tpu.memory_space<vmem>> -> memref<1x64xf32, #tpu.memory_space<vmem>>
      %swap3A_87 = tpu.memref_squeeze %swap3A_86 : memref<1x64xf32, #tpu.memory_space<vmem>> -> memref<64xf32, #tpu.memory_space<vmem>>
      %swap3A_88 = arith.constant 16 : index
      %swap3A_89 = tpu.vector_load %swap3A_87[%swap3A_88] {strides = array<i32>} : memref<64xf32, #tpu.memory_space<vmem>>, vector<16xf32>,
      tpu.vector_store %swap3A_87[%swap3A_88], %broadcast_in_dim3A_3 {strides = array<i32>} : memref<64xf32, #tpu.memory_space<vmem>>, vector<16xf32>,
      %swap3A_90 = arith.constant 0 : i32
      %swap3A_91 = tpu.memref_slice %arg8[%scan3A_79, %swap3A_90] : memref<256x64xf32, #tpu.memory_space<vmem>> -> memref<1x64xf32, #tpu.memory_space<vmem>>
      %swap3A_92 = tpu.memref_squeeze %swap3A_91 : memref<1x64xf32, #tpu.memory_space<vmem>> -> memref<64xf32, #tpu.memory_space<vmem>>
      %swap3A_93 = arith.constant 32 : index
      %swap3A_94 = tpu.vector_load %swap3A_92[%swap3A_93] {strides = array<i32>} : memref<64xf32, #tpu.memory_space<vmem>>, vector<16xf32>,
      tpu.vector_store %swap3A_92[%swap3A_93], %broadcast_in_dim3A_3 {strides = array<i32>} : memref<64xf32, #tpu.memory_space<vmem>>, vector<16xf32>,
      %swap3A_95 = arith.constant 0 : i32
      %swap3A_96 = tpu.memref_slice %arg8[%scan3A_79, %swap3A_95] : memref<256x64xf32, #tpu.memory_space<vmem>> -> memref<1x64xf32, #tpu.memory_space<vmem>>
      %swap3A_97 = tpu.memref_squeeze %swap3A_96 : memref<1x64xf32, #tpu.memory_space<vmem>> -> memref<64xf32, #tpu.memory_space<vmem>>
      %swap3A_98 = arith.constant 48 : index
      %swap3A_99 = tpu.vector_load %swap3A_97[%swap3A_98] {strides = array<i32>} : memref<64xf32, #tpu.memory_space<vmem>>, vector<16xf32>,
      tpu.vector_store %swap3A_97[%swap3A_98], %broadcast_in_dim3A_3 {strides = array<i32>} : memref<64xf32, #tpu.memory_space<vmem>>, vector<16xf32>,
      %scan3A_100 = arith.constant 0 : i32
      %scan3A_101 = arith.constant 1 : i32
      %scan3A_102 = arith.addi %scan3A_79, %scan3A_101 : i32
      %swap3A_103 = arith.constant 0 : i32
      %swap3A_104 = tpu.memref_slice %arg8[%scan3A_102, %swap3A_103] : memref<256x64xf32, #tpu.memory_space<vmem>> -> memref<1x64xf32, #tpu.memory_space<vmem>>
      %swap3A_105 = tpu.memref_squeeze %swap3A_104 : memref<1x64xf32, #tpu.memory_space<vmem>> -> memref<64xf32, #tpu.memory_space<vmem>>
      %swap3A_106 = arith.constant 0 : index
      %swap3A_107 = tpu.vector_load %swap3A_105[%swap3A_106] {strides = array<i32>} : memref<64xf32, #tpu.memory_space<vmem>>, vector<16xf32>,
      tpu.vector_store %swap3A_105[%swap3A_106], %broadcast_in_dim3A_3 {strides = array<i32>} : memref<64xf32, #tpu.memory_space<vmem>>, vector<16xf32>,
      %swap3A_108 = arith.constant 0 : i32
      %swap3A_109 = tpu.memref_slice %arg8[%scan3A_102, %swap3A_108] : memref<256x64xf32, #tpu.memory_space<vmem>> -> memref<1x64xf32, #tpu.memory_space<vmem>>
      %swap3A_110 = tpu.memref_squeeze %swap3A_109 : memref<1x64xf32, #tpu.memory_space<vmem>> -> memref<64xf32, #tpu.memory_space<vmem>>
      %swap3A_111 = arith.constant 16 : index
      %swap3A_112 = tpu.vector_load %swap3A_110[%swap3A_111] {strides = array<i32>} : memref<64xf32, #tpu.memory_space<vmem>>, vector<16xf32>,
      tpu.vector_store %swap3A_110[%swap3A_111], %broadcast_in_dim3A_3 {strides = array<i32>} : memref<64xf32, #tpu.memory_space<vmem>>, vector<16xf32>,
      %swap3A_113 = arith.constant 0 : i32
      %swap3A_114 = tpu.memref_slice %arg8[%scan3A_102, %swap3A_113] : memref<256x64xf32, #tpu.memory_space<vmem>> -> memref<1x64xf32, #tpu.memory_space<vmem>>
      %swap3A_115 = tpu.memref_squeeze %swap3A_114 : memref<1x64xf32, #tpu.memory_space<vmem>> -> memref<64xf32, #tpu.memory_space<vmem>>
      %swap3A_116 = arith.constant 32 : index
      %swap3A_117 = tpu.vector_load %swap3A_115[%swap3A_116] {strides = array<i32>} : memref<64xf32, #tpu.memory_space<vmem>>, vector<16xf32>,
      tpu.vector_store %swap3A_115[%swap3A_116], %broadcast_in_dim3A_3 {strides = array<i32>} : memref<64xf32, #tpu.memory_space<vmem>>, vector<16xf32>,
      %swap3A_118 = arith.constant 0 : i32
      %swap3A_119 = tpu.memref_slice %arg8[%scan3A_102, %swap3A_118] : memref<256x64xf32, #tpu.memory_space<vmem>> -> memref<1x64xf32, #tpu.memory_space<vmem>>
      %swap3A_120 = tpu.memref_squeeze %swap3A_119 : memref<1x64xf32, #tpu.memory_space<vmem>> -> memref<64xf32, #tpu.memory_space<vmem>>
      %swap3A_121 = arith.constant 48 : index
      %swap3A_122 = tpu.vector_load %swap3A_120[%swap3A_121] {strides = array<i32>} : memref<64xf32, #tpu.memory_space<vmem>>, vector<16xf32>,
      tpu.vector_store %swap3A_120[%swap3A_121], %broadcast_in_dim3A_3 {strides = array<i32>} : memref<64xf32, #tpu.memory_space<vmem>>, vector<16xf32>,
      %scan3A_123 = arith.constant 0 : i32
      %scan3A_124 = arith.constant 2 : i32
      %scan3A_125 = arith.addi %scan3A_79, %scan3A_124 : i32
      %swap3A_126 = arith.constant 0 : i32
      %swap3A_127 = tpu.memref_slice %arg8[%scan3A_125, %swap3A_126] : memref<256x64xf32, #tpu.memory_space<vmem>> -> memref<1x64xf32, #tpu.memory_space<vmem>>
      %swap3A_128 = tpu.memref_squeeze %swap3A_127 : memref<1x64xf32, #tpu.memory_space<vmem>> -> memref<64xf32, #tpu.memory_space<vmem>>
      %swap3A_129 = arith.constant 0 : index
      %swap3A_130 = tpu.vector_load %swap3A_128[%swap3A_129] {strides = array<i32>} : memref<64xf32, #tpu.memory_space<vmem>>, vector<16xf32>,
      tpu.vector_store %swap3A_128[%swap3A_129], %broadcast_in_dim3A_3 {strides = array<i32>} : memref<64xf32, #tpu.memory_space<vmem>>, vector<16xf32>,
      %swap3A_131 = arith.constant 0 : i32
      %swap3A_132 = tpu.memref_slice %arg8[%scan3A_125, %swap3A_131] : memref<256x64xf32, #tpu.memory_space<vmem>> -> memref<1x64xf32, #tpu.memory_space<vmem>>
      %swap3A_133 = tpu.memref_squeeze %swap3A_132 : memref<1x64xf32, #tpu.memory_space<vmem>> -> memref<64xf32, #tpu.memory_space<vmem>>
      %swap3A_134 = arith.constant 16 : index
      %swap3A_135 = tpu.vector_load %swap3A_133[%swap3A_134] {strides = array<i32>} : memref<64xf32, #tpu.memory_space<vmem>>, vector<16xf32>,
      tpu.vector_store %swap3A_133[%swap3A_134], %broadcast_in_dim3A_3 {strides = array<i32>} : memref<64xf32, #tpu.memory_space<vmem>>, vector<16xf32>,
      %swap3A_136 = arith.constant 0 : i32
      %swap3A_137 = tpu.memref_slice %arg8[%scan3A_125, %swap3A_136] : memref<256x64xf32, #tpu.memory_space<vmem>> -> memref<1x64xf32, #tpu.memory_space<vmem>>
      %swap3A_138 = tpu.memref_squeeze %swap3A_137 : memref<1x64xf32, #tpu.memory_space<vmem>> -> memref<64xf32, #tpu.memory_space<vmem>>
      %swap3A_139 = arith.constant 32 : index
      %swap3A_140 = tpu.vector_load %swap3A_138[%swap3A_139] {strides = array<i32>} : memref<64xf32, #tpu.memory_space<vmem>>, vector<16xf32>,
      tpu.vector_store %swap3A_138[%swap3A_139], %broadcast_in_dim3A_3 {strides = array<i32>} : memref<64xf32, #tpu.memory_space<vmem>>, vector<16xf32>,
      %swap3A_141 = arith.constant 0 : i32
      %swap3A_142 = tpu.memref_slice %arg8[%scan3A_125, %swap3A_141] : memref<256x64xf32, #tpu.memory_space<vmem>> -> memref<1x64xf32, #tpu.memory_space<vmem>>
      %swap3A_143 = tpu.memref_squeeze %swap3A_142 : memref<1x64xf32, #tpu.memory_space<vmem>> -> memref<64xf32, #tpu.memory_space<vmem>>
      %swap3A_144 = arith.constant 48 : index
      %swap3A_145 = tpu.vector_load %swap3A_143[%swap3A_144] {strides = array<i32>} : memref<64xf32, #tpu.memory_space<vmem>>, vector<16xf32>,
      tpu.vector_store %swap3A_143[%swap3A_144], %broadcast_in_dim3A_3 {strides = array<i32>} : memref<64xf32, #tpu.memory_space<vmem>>, vector<16xf32>,
      %scan3A_146 = arith.constant 0 : i32
      %scan3A_147 = arith.constant 3 : i32
      %scan3A_148 = arith.addi %scan3A_79, %scan3A_147 : i32
      %swap3A_149 = arith.constant 0 : i32
      %swap3A_150 = tpu.memref_slice %arg8[%scan3A_148, %swap3A_149] : memref<256x64xf32, #tpu.memory_space<vmem>> -> memref<1x64xf32, #tpu.memory_space<vmem>>
      %swap3A_151 = tpu.memref_squeeze %swap3A_150 : memref<1x64xf32, #tpu.memory_space<vmem>> -> memref<64xf32, #tpu.memory_space<vmem>>
      %swap3A_152 = arith.constant 0 : index
      %swap3A_153 = tpu.vector_load %swap3A_151[%swap3A_152] {strides = array<i32>} : memref<64xf32, #tpu.memory_space<vmem>>, vector<16xf32>,
      tpu.vector_store %swap3A_151[%swap3A_152], %broadcast_in_dim3A_3 {strides = array<i32>} : memref<64xf32, #tpu.memory_space<vmem>>, vector<16xf32>,
      %swap3A_154 = arith.constant 0 : i32
      %swap3A_155 = tpu.memref_slice %arg8[%scan3A_148, %swap3A_154] : memref<256x64xf32, #tpu.memory_space<vmem>> -> memref<1x64xf32, #tpu.memory_space<vmem>>
      %swap3A_156 = tpu.memref_squeeze %swap3A_155 : memref<1x64xf32, #tpu.memory_space<vmem>> -> memref<64xf32, #tpu.memory_space<vmem>>
      %swap3A_157 = arith.constant 16 : index
      %swap3A_158 = tpu.vector_load %swap3A_156[%swap3A_157] {strides = array<i32>} : memref<64xf32, #tpu.memory_space<vmem>>, vector<16xf32>,
      tpu.vector_store %swap3A_156[%swap3A_157], %broadcast_in_dim3A_3 {strides = array<i32>} : memref<64xf32, #tpu.memory_space<vmem>>, vector<16xf32>,
      %swap3A_159 = arith.constant 0 : i32
      %swap3A_160 = tpu.memref_slice %arg8[%scan3A_148, %swap3A_159] : memref<256x64xf32, #tpu.memory_space<vmem>> -> memref<1x64xf32, #tpu.memory_space<vmem>>
      %swap3A_161 = tpu.memref_squeeze %swap3A_160 : memref<1x64xf32, #tpu.memory_space<vmem>> -> memref<64xf32, #tpu.memory_space<vmem>>
      %swap3A_162 = arith.constant 32 : index
      %swap3A_163 = tpu.vector_load %swap3A_161[%swap3A_162] {strides = array<i32>} : memref<64xf32, #tpu.memory_space<vmem>>, vector<16xf32>,
      tpu.vector_store %swap3A_161[%swap3A_162], %broadcast_in_dim3A_3 {strides = array<i32>} : memref<64xf32, #tpu.memory_space<vmem>>, vector<16xf32>,
      %swap3A_164 = arith.constant 0 : i32
      %swap3A_165 = tpu.memref_slice %arg8[%scan3A_148, %swap3A_164] : memref<256x64xf32, #tpu.memory_space<vmem>> -> memref<1x64xf32, #tpu.memory_space<vmem>>
      %swap3A_166 = tpu.memref_squeeze %swap3A_165 : memref<1x64xf32, #tpu.memory_space<vmem>> -> memref<64xf32, #tpu.memory_space<vmem>>
      %swap3A_167 = arith.constant 48 : index
      %swap3A_168 = tpu.vector_load %swap3A_166[%swap3A_167] {strides = array<i32>} : memref<64xf32, #tpu.memory_space<vmem>>, vector<16xf32>,
      tpu.vector_store %swap3A_166[%swap3A_167], %broadcast_in_dim3A_3 {strides = array<i32>} : memref<64xf32, #tpu.memory_space<vmem>>, vector<16xf32>,
      %scan3A_169 = arith.constant 0 : i32
      scf.yield %scan3A_169 : i32
    }
    %scan3A_67 = arith.constant 256 : i32
    %scan3A_68 = arith.constant 0 : i32
    %scan3A_69 = arith.constant 0 : i32
    %scan3A_70 = arith.constant 16 : i32
    %scan3A_71 = arith.addi %scan3A_69, %scan3A_70 : i32
    %scan3A_72 = arith.constant 2 : i32
    %scan3A_73 = scf.for %scan3A_79 = %scan3A_69 to %scan3A_71 step %scan3A_72 iter_args(%scan3A_80 = %scan3A_68) -> (i32)  : i32 {
      %mul3A_81 = arith.constant 16 : i32
      %mul3A_82 = arith.muli %scan3A_79, %mul3A_81 : i32
      %add3A_83 = vector.broadcast %mul3A_82 : i32 to vector<16xi32>
      %add3A_84 = arith.addi %iota3A, %add3A_83 : vector<16xi32>
      %mul3A_85 = arith.constant 16 : i32
      %mul3A_86 = arith.muli %scan3A_79, %mul3A_85 : i32
      %add3A_87 = arith.constant 768 : i32
      %add3A_88 = arith.addi %add3A_87, %mul3A_86 : i32
      %get3A = arith.index_cast %add3A_88 : i32 to index
      %get3A_89 = tpu.vector_load %arg6[%get3A] {strides = array<i32>} : memref<1024xi32, #tpu.memory_space<vmem>>, vector<16xi32>,
      %mul3A_90 = arith.constant 16 : i32
      %mul3A_91 = arith.muli %scan3A_79, %mul3A_90 : i32
      %add3A_92 = arith.constant 768 : i32
      %add3A_93 = arith.addi %add3A_92, %mul3A_91 : i32
      %get3A_94 = arith.index_cast %add3A_93 : i32 to index
      %get3A_95 = tpu.vector_load %arg7[%get3A_94] {strides = array<i32>} : memref<1024xf32, #tpu.memory_space<vmem>>, vector<16xf32>,
      %shift_right_arithmetic3A = arith.constant 6 : i32
      %shift_right_arithmetic3A_96 = vector.broadcast %shift_right_arithmetic3A : i32 to vector<16xi32>
      %shift_right_arithmetic3A_97 = arith.shrsi %get3A_89, %shift_right_arithmetic3A_96 : vector<16xi32>
      %and3A = arith.constant 63 : i32
      %and3A_98 = vector.broadcast %and3A : i32 to vector<16xi32>
      %and3A_99 = arith.andi %get3A_89, %and3A_98 : vector<16xi32>
      tpu.vector_store_idx %arg8[%add3A_84, %shift_right_arithmetic3A_97], %get3A_95 : memref<256x64xf32, #tpu.memory_space<vmem>>[vector<16xi32>, vector<16xi32>], vector<16xf32>,
      %sub3A = arith.constant 1.000000e+00 : f32
      %sub3A_100 = vector.broadcast %sub3A : f32 to vector<16xf32>
      %sub3A_101 = arith.subf %sub3A_100, %get3A_95 : vector<16xf32>
      tpu.vector_store_idx %arg8[%add3A_84, %and3A_99], %sub3A_101 : memref<256x64xf32, #tpu.memory_space<vmem>>[vector<16xi32>, vector<16xi32>], vector<16xf32>,
      tpu.vector_store_idx %arg9[%add3A_84, %broadcast_in_dim3A_5], %shift_right_arithmetic3A_97 : memref<256x2xi32, #tpu.memory_space<vmem>>[vector<16xi32>, vector<16xi32>], vector<16xi32>,
      tpu.vector_store_idx %arg9[%add3A_84, %broadcast_in_dim3A_7], %and3A_99 : memref<256x2xi32, #tpu.memory_space<vmem>>[vector<16xi32>, vector<16xi32>], vector<16xi32>,
      %scan3A_102 = arith.constant 0 : i32
      %scan3A_103 = arith.constant 1 : i32
      %scan3A_104 = arith.addi %scan3A_79, %scan3A_103 : i32
      %mul3A_105 = arith.constant 16 : i32
      %mul3A_106 = arith.muli %scan3A_104, %mul3A_105 : i32
      %add3A_107 = vector.broadcast %mul3A_106 : i32 to vector<16xi32>
      %add3A_108 = arith.addi %iota3A, %add3A_107 : vector<16xi32>
      %mul3A_109 = arith.constant 16 : i32
      %mul3A_110 = arith.muli %scan3A_104, %mul3A_109 : i32
      %add3A_111 = arith.constant 768 : i32
      %add3A_112 = arith.addi %add3A_111, %mul3A_110 : i32
      %get3A_113 = arith.index_cast %add3A_112 : i32 to index
      %get3A_114 = tpu.vector_load %arg6[%get3A_113] {strides = array<i32>} : memref<1024xi32, #tpu.memory_space<vmem>>, vector<16xi32>,
      %mul3A_115 = arith.constant 16 : i32
      %mul3A_116 = arith.muli %scan3A_104, %mul3A_115 : i32
      %add3A_117 = arith.constant 768 : i32
      %add3A_118 = arith.addi %add3A_117, %mul3A_116 : i32
      %get3A_119 = arith.index_cast %add3A_118 : i32 to index
      %get3A_120 = tpu.vector_load %arg7[%get3A_119] {strides = array<i32>} : memref<1024xf32, #tpu.memory_space<vmem>>, vector<16xf32>,
      %shift_right_arithmetic3A_121 = arith.constant 6 : i32
      %shift_right_arithmetic3A_122 = vector.broadcast %shift_right_arithmetic3A_121 : i32 to vector<16xi32>
      %shift_right_arithmetic3A_123 = arith.shrsi %get3A_114, %shift_right_arithmetic3A_122 : vector<16xi32>
      %and3A_124 = arith.constant 63 : i32
      %and3A_125 = vector.broadcast %and3A_124 : i32 to vector<16xi32>
      %and3A_126 = arith.andi %get3A_114, %and3A_125 : vector<16xi32>
      tpu.vector_store_idx %arg8[%add3A_108, %shift_right_arithmetic3A_123], %get3A_120 : memref<256x64xf32, #tpu.memory_space<vmem>>[vector<16xi32>, vector<16xi32>], vector<16xf32>,
      %sub3A_127 = arith.constant 1.000000e+00 : f32
      %sub3A_128 = vector.broadcast %sub3A_127 : f32 to vector<16xf32>
      %sub3A_129 = arith.subf %sub3A_128, %get3A_120 : vector<16xf32>
      tpu.vector_store_idx %arg8[%add3A_108, %and3A_126], %sub3A_129 : memref<256x64xf32, #tpu.memory_space<vmem>>[vector<16xi32>, vector<16xi32>], vector<16xf32>,
      tpu.vector_store_idx %arg9[%add3A_108, %broadcast_in_dim3A_5], %shift_right_arithmetic3A_123 : memref<256x2xi32, #tpu.memory_space<vmem>>[vector<16xi32>, vector<16xi32>], vector<16xi32>,
      tpu.vector_store_idx %arg9[%add3A_108, %broadcast_in_dim3A_7], %and3A_126 : memref<256x2xi32, #tpu.memory_space<vmem>>[vector<16xi32>, vector<16xi32>], vector<16xi32>,
      %scan3A_130 = arith.constant 0 : i32
      scf.yield %scan3A_130 : i32
    }
    %scan3A_74 = arith.constant 16 : i32
    %add3A_75 = arith.constant 768 : i32
    %add3A_76 = arith.addi %mul3A_2, %add3A_75 : i32
    "tpu.region"() ({
      %run_scoped3A = tpu.sem_alloc : memref<!tpu.dma_semaphore, #tpu.memory_space<semaphore_mem>>
      %dma_start3A = arith.constant 0 : i32
      %dma_start3A_79 = tpu.memref_slice %arg4[%add3A_76, %dma_start3A] : memref<32768x64xf32, #tpu.memory_space<hbm>> -> memref<256x64xf32, #tpu.memory_space<hbm>>
      %dma_start3A_80 = arith.constant 0 : i32
      %dma_start3A_81 = tpu.memref_slice %arg4[%add3A_76, %dma_start3A_80] : memref<32768x64xf32, #tpu.memory_space<hbm>> -> memref<256x64xf32, #tpu.memory_space<hbm>>
      tpu.enqueue_dma source(%arg8 : memref<256x64xf32, #tpu.memory_space<vmem>>) target(%dma_start3A_81 : memref<256x64xf32, #tpu.memory_space<hbm>>) target_semaphore(%run_scoped3A : memref<!tpu.dma_semaphore, #tpu.memory_space<semaphore_mem>>)
      %dma_wait3A = arith.constant 0 : i32
      %dma_wait3A_82 = tpu.memref_slice %arg4[%add3A_76, %dma_wait3A] : memref<32768x64xf32, #tpu.memory_space<hbm>> -> memref<256x64xf32, #tpu.memory_space<hbm>>
      %dma_wait3A_83 = arith.constant 0 : i32
      %dma_wait3A_84 = tpu.memref_slice %arg4[%add3A_76, %dma_wait3A_83] : memref<32768x64xf32, #tpu.memory_space<hbm>> -> memref<256x64xf32, #tpu.memory_space<hbm>>
      tpu.wait_dma2 semaphore(%run_scoped3A : memref<!tpu.dma_semaphore, #tpu.memory_space<semaphore_mem>>) src(%arg8 : memref<256x64xf32, #tpu.memory_space<vmem>>) dst(%dma_wait3A_84 : memref<256x64xf32, #tpu.memory_space<hbm>>)
      tpu.yield
    }) : () -> ()
    %add3A_77 = arith.constant 768 : i32
    %add3A_78 = arith.addi %mul3A_2, %add3A_77 : i32
    "tpu.region"() ({
      %run_scoped3A = tpu.sem_alloc : memref<!tpu.dma_semaphore, #tpu.memory_space<semaphore_mem>>
      %dma_start3A = arith.constant 0 : i32
      %dma_start3A_79 = tpu.memref_slice %arg5[%add3A_78, %dma_start3A] : memref<32768x2xi32, #tpu.memory_space<hbm>> -> memref<256x2xi32, #tpu.memory_space<hbm>>
      %dma_start3A_80 = arith.constant 0 : i32
      %dma_start3A_81 = tpu.memref_slice %arg5[%add3A_78, %dma_start3A_80] : memref<32768x2xi32, #tpu.memory_space<hbm>> -> memref<256x2xi32, #tpu.memory_space<hbm>>
      tpu.enqueue_dma source(%arg9 : memref<256x2xi32, #tpu.memory_space<vmem>>) target(%dma_start3A_81 : memref<256x2xi32, #tpu.memory_space<hbm>>) target_semaphore(%run_scoped3A : memref<!tpu.dma_semaphore, #tpu.memory_space<semaphore_mem>>)
      %dma_wait3A = arith.constant 0 : i32
      %dma_wait3A_82 = tpu.memref_slice %arg5[%add3A_78, %dma_wait3A] : memref<32768x2xi32, #tpu.memory_space<hbm>> -> memref<256x2xi32, #tpu.memory_space<hbm>>
      %dma_wait3A_83 = arith.constant 0 : i32
      %dma_wait3A_84 = tpu.memref_slice %arg5[%add3A_78, %dma_wait3A_83] : memref<32768x2xi32, #tpu.memory_space<hbm>> -> memref<256x2xi32, #tpu.memory_space<hbm>>
      tpu.wait_dma2 semaphore(%run_scoped3A : memref<!tpu.dma_semaphore, #tpu.memory_space<semaphore_mem>>) src(%arg9 : memref<256x2xi32, #tpu.memory_space<vmem>>) dst(%dma_wait3A_84 : memref<256x2xi32, #tpu.memory_space<hbm>>)
      tpu.yield
    }) : () -> ()
    return
  }
}

module attributes {stable_mosaic.version = 14 : i64} {
  func.func @_router_body(%arg0: i32, %arg1: memref<4096x768xf32, #tpu.memory_space<vmem>>, %arg2: memref<64x768xf32, #tpu.memory_space<vmem>>, %arg3: memref<1x64xf32, #tpu.memory_space<vmem>>, %arg4: memref<4096xi32, #tpu.memory_space<vmem>>, %arg5: memref<4096xf32, #tpu.memory_space<vmem>>) attributes {dimension_semantics = [#tpu.dimension_semantics<arbitrary>], iteration_bounds = array<i64: 8>, scalar_prefetch = 0 : i64, scratch_operands = 0 : i64, tpu.core_type = #tpu.core_type<tc>, window_params = [{transform_indices = @transform_0, window_bounds = array<i64: 4096, 768>}, {pipeline_mode = #tpu.pipeline_mode<synchronous>, transform_indices = @transform_1, window_bounds = array<i64: 64, 768>}, {pipeline_mode = #tpu.pipeline_mode<synchronous>, transform_indices = @transform_2, window_bounds = array<i64: 1, 64>}, {transform_indices = @transform_3, window_bounds = array<i64: 4096>}, {transform_indices = @transform_4, window_bounds = array<i64: 4096>}]} {
    %get3A = arith.constant 0 : index
    %get3A_0 = arith.constant 0 : index
    %get3A_1 = vector.load %arg1[%get3A, %get3A_0] : memref<4096x768xf32, #tpu.memory_space<vmem>>, vector<4096x768xf32>
    %get3A_2 = arith.constant 0 : index
    %get3A_3 = arith.constant 0 : index
    %get3A_4 = vector.load %arg2[%get3A_2, %get3A_3] : memref<64x768xf32, #tpu.memory_space<vmem>>, vector<64x768xf32>
    %dot_general3A = arith.constant dense<0.000000e+00> : vector<4096x64xf32>
    %dot_general3A_5 = tpu.matmul %get3A_1, %get3A_4, %dot_general3A {dimension_numbers = #tpu.dot_dimension_numbers<[1], [1], [0], [0], [0, 0, 1, 0], [], []>, transpose_lhs_hint = false} : vector<4096x768xf32>, vector<64x768xf32>, vector<4096x64xf32> -> vector<4096x64xf32>
    %get3A_6 = arith.constant 0 : index
    %get3A_7 = arith.constant 0 : index
    %get3A_8 = vector.load %arg3[%get3A_6, %get3A_7] : memref<1x64xf32, #tpu.memory_space<vmem>>, vector<1x64xf32>
    %add3A = vector.broadcast %get3A_8 : vector<1x64xf32> to vector<4096x64xf32>
    %add3A_9 = arith.addf %dot_general3A_5, %add3A : vector<4096x64xf32>
    %iota3A = tpu.iota {dimensions = array<i32: 1>} : vector<4096x64xi32>
    %reduce_max3A = arith.constant dense<0xFF800000> : vector<4096xf32>
    %reduce_max3A_10 = vector.multi_reduction <maximumf>, %add3A_9, %reduce_max3A [1] : vector<4096x64xf32> to vector<4096xf32>
    %broadcast_in_dim3A = vector.shape_cast %reduce_max3A_10 : vector<4096xf32> to vector<4096x1xf32>
    %eq3A = vector.broadcast %broadcast_in_dim3A : vector<4096x1xf32> to vector<4096x64xf32>
    %eq3A_11 = arith.cmpf oeq, %add3A_9, %eq3A : vector<4096x64xf32>
    %jit3A = arith.constant 64 : i32
    %broadcast_in_dim3A_12 = vector.broadcast %jit3A : i32 to vector<4096x64xi32>
    %select_n3A = arith.select %eq3A_11, %iota3A, %broadcast_in_dim3A_12 : vector<4096x64xi1>, vector<4096x64xi32>
    %reduce_min3A = arith.constant dense<2147483647> : vector<4096xi32>
    %reduce_min3A_13 = vector.multi_reduction <minsi>, %select_n3A, %reduce_min3A [1] : vector<4096x64xi32> to vector<4096xi32>
    %broadcast_in_dim3A_14 = vector.shape_cast %reduce_min3A_13 : vector<4096xi32> to vector<4096x1xi32>
    %eq3A_15 = vector.broadcast %broadcast_in_dim3A_14 : vector<4096x1xi32> to vector<4096x64xi32>
    %eq3A_16 = arith.cmpi eq, %iota3A, %eq3A_15 : vector<4096x64xi32>
    %jit3A_17 = arith.constant 0xFF800000 : f32
    %broadcast_in_dim3A_18 = vector.broadcast %jit3A_17 : f32 to vector<4096x64xf32>
    %select_n3A_19 = arith.select %eq3A_16, %broadcast_in_dim3A_18, %add3A_9 : vector<4096x64xi1>, vector<4096x64xf32>
    %reduce_max3A_20 = arith.constant dense<0xFF800000> : vector<4096xf32>
    %reduce_max3A_21 = vector.multi_reduction <maximumf>, %select_n3A_19, %reduce_max3A_20 [1] : vector<4096x64xf32> to vector<4096xf32>
    %broadcast_in_dim3A_22 = vector.shape_cast %reduce_max3A_21 : vector<4096xf32> to vector<4096x1xf32>
    %eq3A_23 = vector.broadcast %broadcast_in_dim3A_22 : vector<4096x1xf32> to vector<4096x64xf32>
    %eq3A_24 = arith.cmpf oeq, %select_n3A_19, %eq3A_23 : vector<4096x64xf32>
    %jit3A_25 = arith.constant 64 : i32
    %broadcast_in_dim3A_26 = vector.broadcast %jit3A_25 : i32 to vector<4096x64xi32>
    %select_n3A_27 = arith.select %eq3A_24, %iota3A, %broadcast_in_dim3A_26 : vector<4096x64xi1>, vector<4096x64xi32>
    %reduce_min3A_28 = arith.constant dense<2147483647> : vector<4096xi32>
    %reduce_min3A_29 = vector.multi_reduction <minsi>, %select_n3A_27, %reduce_min3A_28 [1] : vector<4096x64xi32> to vector<4096xi32>
    %broadcast_in_dim3A_30 = vector.shape_cast %reduce_min3A_29 : vector<4096xi32> to vector<4096x1xi32>
    %sub3A = arith.subf %broadcast_in_dim3A_22, %broadcast_in_dim3A : vector<4096x1xf32>
    %exp3A = math.exp %sub3A : vector<4096x1xf32>
    %add3A_31 = arith.constant 1.000000e+00 : f32
    %add3A_32 = vector.broadcast %add3A_31 : f32 to vector<4096x1xf32>
    %add3A_33 = arith.addf %add3A_32, %exp3A : vector<4096x1xf32>
    %div3A = arith.constant 1.000000e+00 : f32
    %div3A_34 = vector.broadcast %div3A : f32 to vector<4096x1xf32>
    %div3A_35 = arith.divf %div3A_34, %add3A_33 : vector<4096x1xf32>
    %mul3A = arith.constant 64 : i32
    %mul3A_36 = vector.broadcast %mul3A : i32 to vector<4096x1xi32>
    %mul3A_37 = arith.muli %broadcast_in_dim3A_14, %mul3A_36 : vector<4096x1xi32>
    %add3A_38 = arith.addi %mul3A_37, %broadcast_in_dim3A_30 : vector<4096x1xi32>
    %reshape3A = vector.shape_cast %add3A_38 : vector<4096x1xi32> to vector<4096xi32>
    %swap3A = arith.constant 0 : index
    %swap3A_39 = vector.load %arg4[%swap3A] : memref<4096xi32, #tpu.memory_space<vmem>>, vector<4096xi32>
    tpu.vector_store %arg4[%swap3A], %reshape3A {strides = array<i32>} : memref<4096xi32, #tpu.memory_space<vmem>>, vector<4096xi32>,
    %reshape3A_40 = vector.shape_cast %div3A_35 : vector<4096x1xf32> to vector<4096xf32>
    %swap3A_41 = arith.constant 0 : index
    %swap3A_42 = vector.load %arg5[%swap3A_41] : memref<4096xf32, #tpu.memory_space<vmem>>, vector<4096xf32>
    tpu.vector_store %arg5[%swap3A_41], %reshape3A_40 {strides = array<i32>} : memref<4096xf32, #tpu.memory_space<vmem>>, vector<4096xf32>,
    return
  }
  func.func @transform_0(%arg0: i32) -> (i32, i32) {
    %c0_i32 = arith.constant 0 : i32
    %c0_i32_0 = arith.constant 0 : i32
    return %arg0, %c0_i32 : i32, i32
  }
  func.func @transform_1(%arg0: i32) -> (i32, i32) {
    %c0_i32 = arith.constant 0 : i32
    %c0_i32_0 = arith.constant 0 : i32
    %c0_i32_1 = arith.constant 0 : i32
    return %c0_i32, %c0_i32_0 : i32, i32
  }
  func.func @transform_2(%arg0: i32) -> (i32, i32) {
    %c0_i32 = arith.constant 0 : i32
    %c0_i32_0 = arith.constant 0 : i32
    %c0_i32_1 = arith.constant 0 : i32
    return %c0_i32, %c0_i32_0 : i32, i32
  }
  func.func @transform_3(%arg0: i32) -> i32 {
    %c0_i32 = arith.constant 0 : i32
    return %arg0 : i32
  }
  func.func @transform_4(%arg0: i32) -> i32 {
    %c0_i32 = arith.constant 0 : i32
    return %arg0 : i32
  }
}

</mosaic_0001>

<sc_bundles>
// kernel: kernel.4.cloned.1.call-start
scs
__scs_entry_jumppad:
0x0: {  	(pc) =	sbr.rel $0x88, $3  }
0x1: {  	(tag) =	ssettag $0x0;
	lr =	simm.s32 $0x1  }
0x2: {  	[smem:$0x3F9E] =	sst lr;
	_ =	strace $0xD0000000  }
0x3: {  	_ = 	snop  }
0x4: {  	_ = 	snop  }
0x5: {  	_ = 	snop  }
0x6: {  	_ = 	snop  }
0x7: {  	_ = 	snop  }
__scs_overlays_trampoline_lowered:
0x8: {  	[smem:$0x3FAD] =	sst s0  }
0x9: {  	[smem:$0x3FAE] =	sst s1  }
0xa: {  	[smem:$0x3FAF] =	sst s2  }
0xb: {  	[smem:$0x3FB0] =	sst s3  }
0xc: {  	[smem:$0x3FB1] =	sst s4  }
0xd: {  	[smem:$0x3FB2] =	sst s5  }
0xe: {  	[smem:$0x3FB3] =	sst s6  }
0xf: {  	[smem:$0x3FB4] =	sst s7  }
0x10: {  	[smem:$0x3FB5] =	sst s8  }
0x11: {  	[smem:$0x3FB6] =	sst s9;
	s0 =	simm.s32 @!p0 $0x0  }
0x12: {  	s1 =	sld [smem:$0x3F9C];
	s0 =	simm.s32 @p0 $0x1  }
0x13: {  	[smem:$0x3FB7] =	sst s0;
	s0 =	simm.s32 @!p1 $0x0  }
0x14: {  	s2 =	sld [smem:$0x3F9B];
	s0 =	simm.s32 @p1 $0x1  }
0x15: {  	[smem:$0x3FB8] =	sst s0;
	s0 =	simm.s32 @!p2 $0x0  }
0x16: {  	s3 =	sld [smem:$0x3FDB];
	s0 =	simm.s32 @p2 $0x1  }
0x17: {  	s4 =	simm.s32 $0x1BF5;
	[smem:$0x3FBA] =	sst s0  }
0x18: {  	s0 =	sld [smem:$0x3F9D];
	_ =	swait.ge [sflag:s4], $0x0  }
0x19: {  	s7 =	sld [smem:$0x3F9E]  }
0x1a: {  	s8 =	sadd.s32 $0xFFFFE003, lr  }
0x1b: {  	s9 =	sadd.s32 $0xFFFFFEF7, lr;
	s5 =	simm.s32 $0xFFFFFFFF;
	p2 =	slt.u32 s8, $0xFFFFF086  }
0x1c: {  	p1 =	slt.u32 s9, $0xF7A;
	s5 =	simm.s32 @!p2 $0x0  }
0x1d: {  	s5 =	simm.s32 @p1 $0x1;
	p0 =	seq.s32 s7, s2  }
0x1e: {  	s7 =	smul.u32 @!p0 $0xF7A, s2;
	p2 =	seq.s32 @!p0 s5, $0x0  }
0x1f: {  	s9 =	smul.u32 $0xF7A, s1;
	s8 =	simm.s32 @!p0 $0x1BF5;
	p2 =	por !p2, p0  }
0x20: {  	[sflag:s8] =	ssyncset.s32 @!p0 $0xFFFFF086;
	s6 =	sadd.s32 @!p0 s3, s7;
	s7 =	simm.s32 @!p0 $0x108  }
0x21: {  	s3 =	sadd.s32 s3, s9;
	s6 =	sadd.s32 @!p0 $0x88, s6;
	s7 =	simm.s32 @p2 $0x1082  }
0x22: {  	[simem:s7], [sflag:s8] =	dma.local @!p0 [hbm:s6], $0xF7A  }
0x23: {  	s9 =	sor.u32 $0xD0000000, s2;
	s6 =	simm.s32 $0x108;
	_ =	swait.ge @!p0 [sflag:s8], $0x0  }
0x24: {  	s3 =	sadd.s32 $0x88, s3;
	s6 =	simm.s32 @!p1 $0x1082;
	[sflag:s4] =	ssyncset.s32 $0xFFFFF086  }
0x25: {  	[simem:s6], [sflag:s4] =	dma.local [hbm:s3], $0xF7A  }
0x26: {  	[smem:$0x3F9E] =	sst s1;
	(tag) =	ssettag s2;
	_ =	strace s9  }
0x27: {  	s1 =	sld [smem:$0x3FAE]  }
0x28: {  	s2 =	sld [smem:$0x3FAF]  }
0x29: {  	s4 =	sld [smem:$0x3FB1]  }
0x2a: {  	p0 =	seq.s32 s5, $0x0;
	s5 =	sld [smem:$0x3FB2]  }
0x2b: {  	s6 =	sld [smem:$0x3FB3]  }
0x2c: {  	s7 =	sld [smem:$0x3FB4]  }
0x2d: {  	s3 =	simm.s32 $0x108;
	s8 =	sld [smem:$0x3FB5]  }
0x2e: {  	s3 =	simm.s32 @!p0 $0x1082;
	s9 =	sld [smem:$0x3FB6]  }
0x2f: {  	lr =	sadd.s32 s0, s3;
	s0 =	sld [smem:$0x3FAD]  }
0x30: {  	s3 =	sld [smem:$0x3FB0]  }
0x31: {  	[smem:$0x3FB9] =	sst s10  }
0x32: {  	s10 =	sld [smem:$0x3FB7];
	_ =	sdelay $0x3  }
0x33: {  	p0 =	seq.s32 s10, $0x1;
	s10 =	sld [smem:$0x3FB9];
	_ =	sdelay $0x3  }
0x34: {  	[smem:$0x3FB9] =	sst s10  }
0x35: {  	s10 =	sld [smem:$0x3FB8];
	_ =	sdelay $0x3  }
0x36: {  	p1 =	seq.s32 s10, $0x1;
	s10 =	sld [smem:$0x3FB9];
	_ =	sdelay $0x3  }
0x37: {  	[smem:$0x3FB9] =	sst s10  }
0x38: {  	s10 =	sld [smem:$0x3FBA]  }
0x39: {  	_ = 	snop;
	(pc) =	sbr.ind lr, $3  }
0x3a: {  	_ = 	snop  }
0x3b: {  	_ = 	snop  }
0x3c: {  	p2 =	seq.s32 s10, $0x1;
	s10 =	sld [smem:$0x3FB9]  }
0x3d: {  	_ =	shalt  }
0x3e: {  	_ =	shalt  }
0x3f: {  	_ =	shalt  }
0x40: {  	_ =	shalt  }
0x41: {  	_ =	shalt  }
0x42: {  	_ =	shalt  }
0x43: {  	_ =	shalt  }
0x44: {  	_ =	shalt  }
0x45: {  	_ =	shalt  }
0x46: {  	_ =	shalt  }
0x47: {  	_ =	shalt  }
0x48: {  	_ =	shalt  }
0x49: {  	_ =	shalt  }
0x4a: {  	_ =	shalt  }
0x4b: {  	_ =	shalt  }
0x4c: {  	_ =	shalt  }
0x4d: {  	_ =	shalt  }
0x4e: {  	_ =	shalt  }
0x4f: {  	_ =	shalt  }
0x50: {  	_ =	shalt  }
0x51: {  	_ =	shalt  }
0x52: {  	_ =	shalt  }
0x53: {  	_ =	shalt  }
0x54: {  	_ =	shalt  }
0x55: {  	_ =	shalt  }
0x56: {  	_ =	shalt  }
0x57: {  	_ =	shalt  }
0x58: {  	_ =	shalt  }
0x59: {  	_ =	shalt  }
0x5a: {  	_ =	shalt  }
0x5b: {  	_ =	shalt  }
0x5c: {  	_ =	shalt  }
0x5d: {  	_ =	shalt  }
0x5e: {  	_ =	shalt  }
0x5f: {  	_ =	shalt  }
0x60: {  	_ =	shalt  }
0x61: {  	_ =	shalt  }
0x62: {  	_ =	shalt  }
0x63: {  	_ =	shalt  }
0x64: {  	_ =	shalt  }
0x65: {  	_ =	shalt  }
0x66: {  	_ =	shalt  }
0x67: {  	_ =	shalt  }
0x68: {  	_ =	shalt  }
0x69: {  	_ =	shalt  }
0x6a: {  	_ =	shalt  }
0x6b: {  	_ =	shalt  }
0x6c: {  	_ =	shalt  }
0x6d: {  	_ =	shalt  }
0x6e: {  	_ =	shalt  }
0x6f: {  	_ =	shalt  }
0x70: {  	_ =	shalt  }
0x71: {  	_ =	shalt  }
0x72: {  	_ =	shalt  }
0x73: {  	_ =	shalt  }
0x74: {  	_ =	shalt  }
0x75: {  	_ =	shalt  }
0x76: {  	_ =	shalt  }
0x77: {  	_ =	shalt  }
0x78: {  	_ =	shalt  }
0x79: {  	_ =	shalt  }
0x7a: {  	_ =	shalt  }
0x7b: {  	_ =	shalt  }
0x7c: {  	_ =	shalt  }
0x7d: {  	_ =	shalt  }
0x7e: {  	_ =	shalt  }
0x7f: {  	_ =	shalt  }
0x80: {  	_ =	shalt  }
0x81: {  	_ =	shalt  }
0x82: {  	_ =	shalt  }
0x83: {  	_ =	shalt  }
0x84: {  	_ =	shalt  }
0x85: {  	_ =	shalt  }
0x86: {  	_ =	shalt  }
0x87: {  	_ =	shalt  }
.Lfunc_end0:
.L_simem_size_0:
called_computation_lowered:
.L_overlay_start_0:
0x88: {  	s2 =	sld [smem:$0x3FD9]  }
0x89: {  	s3 =	sld [smem:$0x3FFE];
	_ =	sdelay $0x1  }
0x8a: {  	s1 =	srdreg.scid  }
0x8b: {  	s0 =	sand.u32 $0x1, s1  }
0x8c: {  	s14 =	sshll.u32 s0, $0xA;
	s2 =	sadd.s32 s3, s2  }
0x8d: {  	s2 =	sadd.s32 s2, s14  }
0x8e: {  	[smem:$0x3FC5] =	sst s2  }
0x8f: {  	_ = 	snop  }
0x90: {  	s2 =	sld [smem:$0x3FD0];
	_ =	sdelay $0x2  }
0x91: {  	s15 =	simm.s32 $0xA;
	s4 =	simm.s32 $0x10  }
0x92: {  	[smem:s4], [sflag:s15] =	dma.local [hbm:s2], $0x1  }
0x93: {  	_ =	swait.eq [sflag:s15], $0x1  }
0x94: {  	[sflag:s15] =	ssyncset.done $0x0  }
0x95: {  	s16 =	sld [smem:$0x10];
	[sflag:s15] =	ssyncadd.s32 $0xFFFFFFFF  }
0x96: {  	s17 =	sld [smem:$0x11];
	(tm) =	ssettm $0x1  }
0x97: {  	s18 =	sld [smem:$0x3FFB];
	_ =	sdelay $0x3  }
0x98: {  	_ =	strace s18  }
0x99: {  	s4 =	sld [smem:$0x3FFC];
	_ =	sdelay $0x3  }
0x9a: {  	_ =	strace s4  }
0x9b: {  	s4 =	sld [smem:$0x3FFD];
	_ =	sdelay $0x3  }
0x9c: {  	_ =	strace s4  }
0x9d: {  	_ =	strace $0x8FFFFFFF  }
0x9e: {  	s19 =	sld [smem:$0x3FDB];
	_ =	sdelay $0x1  }
0x9f: {  	s5 =	simm.s32 $_scs_section_size  }
0xa0: {  	s6 =	simm.s32 $_size__tile_overlayer_lowered;
	s7 =	simm.s32 $_tile_overlayer_lowered  }
0xa1: {  	s22 =	simm.s32 $0x1BFF;
	s21 =	sshll.u32 s7, $0x1;
	s4 =	sadd.s32 s5, s19  }
0xa2: {  	s8 =	simm.s32 $0x0;
	s20 =	sshll.u32 s6, $0x1;
	s6 =	sadd.s32 s21, s4  }
0xa3: {  	[timem:s8], [sflag:s22] =	dma.local [hbm:s6], s20  }
0xa4: {  	_ =	swait.ge [sflag:s22], s20  }
0xa5: {  	s5 =	ssub.s32 $0x0, s20;
	[sflag:s22] =	ssyncset.done $0x0  }
0xa6: {  	[sflag:s22] =	ssyncadd.s32 s5;
	_ =	sdelay $0x1  }
0xa7: {  	s23 =	simm.s32 $0x1B8B  }
0xa8: {  	_ =	swait.ge [sflag:s23], $0x1  }
0xa9: {  	[sflag:s23] =	ssyncset.done $0x0  }
0xaa: {  	s25 =	simm.s32 $0x1B8E;
	s24 =	sld [smem:$0x3FFE];
	[sflag:s23] =	ssyncadd.s32 $0xFFFFFFFF  }
0xab: {  	s26 =	simm.s32 $execute0_lowered;
	[smem:$0x3FD2] =	sst s25  }
0xac: {  	s6 =	sshll.u32 s26, $0x1;
	_ =	strace $0x80000046;
	[dreg:$0x1] =	wrdreg $0xFFFFFFFF  }
0xad: {  	s28 =	simm.s32 $_size_execute0_lowered;
	s4 =	sadd.s32 s4, s6;
	[dreg:$0x0] =	wrdreg $0x0  }
0xae: {  	s6 =	sshll.u32 s28, $0x1;
	[dreg:$0x2] =	wrdreg s4  }
0xaf: {  	[dreg:$0x3] =	wrdreg s6  }
0xb0: {  	[dreg:$0x4] =	wrdreg $0xC0  }
0xb1: {  	_ =	task [dreg:s8], $0x5FFFF  }
0xb2: {  	[dreg:$0x1] =	wrdreg $0xFFFFFFFF  }
0xb3: {  	[dreg:$0x0] =	wrdreg $0x60  }
0xb4: {  	[dreg:$0x2] =	wrdreg s17  }
0xb5: {  	[dreg:$0x3] =	wrdreg s16  }
0xb6: {  	[dreg:$0x4] =	wrdreg s24  }
0xb7: {  	[dreg:$0x5] =	wrdreg $0x9  }
0xb8: {  	_ =	task.clear_ibuf [dreg:s8], $0x6FFFF;
	_ =	strace $0x90000046  }
0xb9: {  	s29 =	simm.s32 $0x9;
	_ =	strace $0x80000048  }
0xba: {  	_ =	swait.ge [sflag:s29], $0x1  }
0xbb: {  	[sflag:s29] =	ssyncadd.s32 $0xFFFFFFFF  }
0xbc: {  	_ =	strace $0x90000048  }
0xbd: {  	_ =	sfence  }
0xbe: {  	s30 =	sld [smem:$0x0];
	_ =	sdelay $0x2  }
0xbf: {  	s31 =	sshll.u32 s1, $0xD;
	s1 =	sshrl.u32 s1, $0x2  }
0xc0: {  	s3 =	sand.u32 $0x4000, s31;
	s1 =	sadd.s32 s1, s30  }
0xc1: {  	s0 =	sor.u32 s3, s0;
	s1 =	sshll.u32 s1, $0x11  }
0xc2: {  	s0 =	sor.u32 s1, s0  }
0xc3: {  	s0 =	sadd.s32 $0x8F2B, s0  }
0xc4: {  	[sflag:s0] =	ssyncadd.remote.s32 $0x1  }
0xc5: {  	_ =	sfence.sel $0xFFFF  }
0xc6: {  	[dreg:$0x0] =	wrdreg $0xFFFFFFFF;
	(pc) =	sbr.abs _section_cstart, $3  }
0xc7: {  	[dreg:$0x1] =	wrdreg $0xFFFFFFFF  }
0xc8: {  	_ =	task.clear_ibuf [dreg:s8], $0x2FFFF;
	_ =	strace $0x9FFFFFFF  }
0xc9: {  	(tm) =	ssettm $0x7FFFFFFF  }
tec
execute0_lowered:
.L_overlay_start_1:
0x0: {  	(tag) =	ssettag $0x1  }
0x1: {  	s3 =	rddreg [dreg:$0x0]  }
0x2: {  	s4 =	rddreg [dreg:$0x1]  }
0x3: {  	s5 =	rddreg [dreg:$0x2]  }
0x4: {  	s0 =	rddreg [dreg:$0x3];
	s2 =	simm.s32 $0x0;
	s6 =	srdreg.scid  }
0x5: {  	s1 =	stileid.u32;
	s16 =	simm.s32 $0x800;
	s17 =	simm.s32 $0x8800  }
0x6: {  	s18 =	simm.s32 $0x0;
	[smem:$0x7FF] =	sst s2;
	s6 =	sand.u32 $0x1, s6  }
0x7: {  	s7 =	sshll.u32 s1, $0xB;
	s11 =	sadd.s32 $0x1400, s5;
	s8 =	sshll.u32 s6, $0xA  }
0x8: {  	s12 =	sadd.s32 $0x81400, s5;
	s6 =	ssub.s32 $0x2, s6;
	s7 =	sor.u32 s8, s7  }
0x9: {  	_ =	strace $0x80000047;
	s30 =	sshrl.u32 s6, $0x1;
	s8 =	sshrl.u32 s7, $0x3  }
0xa: {  	s13 =	ssub.s32 s6, s30;
	s10 =	sshll.u32 s7, $0x4;
	s3 =	sadd.s32 s3, s8  }
0xb: {  	s4 =	sadd.s32 s4, s8;
	s5 =	sadd.s32 s11, s10;
	s31 =	sor.u32 $0x1000, s10  }
0xc: {  	s6 =	sadd.s32 s12, s10;
	s14 =	sor.u32 $0x2000, s10;
	s15 =	sor.u32 $0x3000, s10  }
0xd: {  	s13 =	smax.u32 s13, $0x1;
	s7 =	sadd.s32 s11, s31;
	s8 =	sadd.s32 s12, s31  }
0xe: {  	v1 =	vlaneseq.u32;
	s9 =	sadd.s32 s11, s14;
	s10 =	sadd.s32 s12, s14;
	s11 =	sadd.s32 s11, s15  }
0xf: {  	v0 =	vimm.f32 $0.0e+00;
	v1 =	vmul.u32 $0x80, v1;
	s12 =	sadd.s32 s12, s15;
	s14 =	simm.s32 $0x1;
	s15 =	simm.s32 $0x400  }
.LBB2_1:
0x10: {  	[tilespmem:s2], [sflag:$0x1] =	stream.linear.gather [hbm4b:s3+s2], $0x400, $0x38;
	[tilespmem:$0x10800] =	vst v63  }
0x11: {  	_ =	swait.ge [sflag:s14], $0x400  }
0x12: {  	[sflag:s14] =	ssyncset.done $0x0  }
0x13: {  	[sflag:s14] =	ssyncadd.s32 $0xFFFFFC00  }
0x14: {  	[tilespmem:s15], [sflag:$0x1] =	stream.linear.gather [hbm4b:s4+s2], $0x400, $0x38;
	[tilespmem:$0x10800] =	vst v63  }
0x15: {  	_ =	swait.ge [sflag:s14], $0x400  }
0x16: {  	[sflag:s14] =	ssyncset.done $0x0  }
0x17: {  	s22 =	simm.s32 $0x900;
	[sflag:s14] =	ssyncadd.s32 $0xFFFFFC00  }
0x18: {  	[tilespmem:s22+$0xFFFFFF00] =	vst v0  }
0x19: {  	[tilespmem:s22+$0xB0] =	vst v0  }
0x1a: {  	[tilespmem:s22+$0xA0] =	vst v0  }
0x1b: {  	[tilespmem:s22+$0x90] =	vst v0  }
0x1c: {  	[tilespmem:s22+$0x80] =	vst v0  }
0x1d: {  	[tilespmem:s22+$0x30] =	vst v0  }
0x1e: {  	[tilespmem:s22+$0x20] =	vst v0  }
0x1f: {  	[tilespmem:s22+$0x10] =	vst v0  }
0x20: {  	[tilespmem:s22+$0x0] =	vst v0  }
0x21: {  	[tilespmem:s22+$0xFFFFFFB0] =	vst v0  }
0x22: {  	[tilespmem:s22+$0xFFFFFFA0] =	vst v0  }
0x23: {  	[tilespmem:s22+$0xFFFFFF90] =	vst v0  }
0x24: {  	[tilespmem:s22+$0xFFFFFF80] =	vst v0  }
0x25: {  	[tilespmem:s22+$0xFFFFFF30] =	vst v0  }
0x26: {  	s23 =	simm.s32 $0x0;
	s19 =	simm.s32 $0x10;
	s20 =	simm.s32 $0x410;
	[tilespmem:s22+$0xFFFFFF20] =	vst v0  }
.LBB2_2:
0x27: {  	s23 =	sadd.s32 $0x4, s23;
	[tilespmem:s22+$0xFFFFFF10] =	vst v0;
	s22 =	sadd.s32 $0x200, s22;
	s21 =	simm.s32 $0xFFFFFFFE  }
0x28: {  	[tilespmem:s22+$0xFFFFFF00] =	vst v0;
	p0 =	slt.u32 s23, $0xFC  }
0x29: {  	[tilespmem:s22+$0xB0] =	vst v0  }
0x2a: {  	[tilespmem:s22+$0xA0] =	vst v0  }
0x2b: {  	[tilespmem:s22+$0x90] =	vst v0  }
0x2c: {  	[tilespmem:s22+$0x80] =	vst v0  }
0x2d: {  	[tilespmem:s22+$0x30] =	vst v0  }
0x2e: {  	[tilespmem:s22+$0x20] =	vst v0  }
0x2f: {  	[tilespmem:s22+$0x10] =	vst v0  }
0x30: {  	[tilespmem:s22+$0x0] =	vst v0  }
0x31: {  	[tilespmem:s22+$0xFFFFFFB0] =	vst v0  }
.Ltmp0:
0x32: {  	[tilespmem:s22+$0xFFFFFFA0] =	vst v0;
	(pc) =	sbr.rel @p0 .LBB2_2-.Ltmp0, $4  }
0x33: {  	[tilespmem:s22+$0xFFFFFF90] =	vst v0  }
0x34: {  	[tilespmem:s22+$0xFFFFFF80] =	vst v0  }
0x35: {  	[tilespmem:s22+$0xFFFFFF30] =	vst v0  }
0x36: {  	[tilespmem:s22+$0xFFFFFF20] =	vst v0  }
0x37: {  	[tilespmem:s22+$0xFFFFFF10] =	vst v0;
	s22 =	simm.s32 $0x10  }
.LBB2_4:
0x38: {  	v2 =	vld [tilespmem:s22+$0xFFFFFFF0];
	_ =	sdelay $0x2  }
0x39: {  	s23 =	sadd.s32 $0xFFFFFFF0, s19  }
0x3a: {  	v3 =	vmov s23  }
0x3b: {  	v3 =	vshll.u32 v3, $0x7;
	v4 =	vshra.s32 v2, $0x6  }
0x3c: {  	v3 =	vor.u32 v1, v3;
	v5 =	vand.u32 $0xFFFFFF80, v4  }
0x3d: {  	v6 =	vld [tilespmem:s20+$0xFFFFFFF0];
	v7 =	vand.u32 $0x7F, v4;
	v5 =	vadd.s32 v3, v5  }
0x3e: {  	v2 =	vand.u32 $0x3F, v2;
	v5 =	vor.u32 v7, v5  }
0x3f: {  	v57 =	vor.u32 v3, v2;
	_ =	sdelay $0x1  }
0x40: {  	v8 =	vor.u32 $0x1, v3  }
0x41: {  	v9 =	vsub.f32 $1.000000000e+00, v6  }
0x42: {  	[tilespmem:v5+s16+$0x0] =	vst.idx.msk $0xffff, v6  }
0x43: {  	[tilespmem:v57+s16+$0x0] =	vst.idx.msk $0xffff, v9  }
0x44: {  	[tilespmem:v3+s17+$0x0] =	vst.idx.msk $0xffff, v4  }
0x45: {  	[tilespmem:v8+s17+$0x0] =	vst.idx.msk $0xffff, v2  }
0x46: {  	v2 =	vld [tilespmem:s22+$0x0];
	_ =	sdelay $0x3  }
0x47: {  	v3 =	vmov s19  }
0x48: {  	v3 =	vshll.u32 v3, $0x7;
	v58 =	vshra.s32 v2, $0x6  }
0x49: {  	v3 =	vor.u32 v1, v3;
	v59 =	vand.u32 $0xFFFFFF80, v58  }
0x4a: {  	v6 =	vld [tilespmem:s20+$0x0];
	v60 =	vand.u32 $0x7F, v58;
	v5 =	vadd.s32 v3, v59  }
0x4b: {  	v2 =	vand.u32 $0x3F, v2;
	v5 =	vor.u32 v60, v5  }
0x4c: {  	v61 =	vor.u32 v3, v2  }
0x4d: {  	s21 =	sadd.s32 $0x2, s21  }
0x4e: {  	p0 =	slt.u32 s21, $0xE;
	v62 =	vor.u32 $0x1, v3  }
.Ltmp1:
0x4f: {  	v63 =	vsub.f32 $1.000000000e+00, v6;
	(pc) =	sbr.rel @p0 .LBB2_4-.Ltmp1, $4  }
0x50: {  	[tilespmem:v5+s16+$0x0] =	vst.idx.msk $0xffff, v6  }
0x51: {  	[tilespmem:v61+s16+$0x0] =	vst.idx.msk $0xffff, v63  }
0x52: {  	[tilespmem:v3+s17+$0x0] =	vst.idx.msk $0xffff, v58  }
0x53: {  	s19 =	sadd.s32 $0x20, s19;
	s22 =	sadd.s32 $0x20, s22;
	s20 =	sadd.s32 $0x20, s20;
	[tilespmem:v62+s17+$0x0] =	vst.idx.msk $0xffff, v2  }
0x54: {  	[hbm4b:s5+s2] =	stream.linear.scatter [tilespmem:s16], [sflag:$0x1], $0x8000, $0x38;
	[tilespmem:$0x10800] =	vst v63  }
0x55: {  	_ =	swait.ge [sflag:s14], $0x8000  }
0x56: {  	[sflag:s14] =	ssyncset.done $0x0  }
0x57: {  	[sflag:s14] =	ssyncadd.s32 $0xFFFF8000  }
0x58: {  	[hbm4b:s6+s2] =	stream.linear.scatter [tilespmem:s17], [sflag:$0x1], $0x8000, $0x38;
	[tilespmem:$0x10800] =	vst v63  }
0x59: {  	_ =	swait.ge [sflag:s14], $0x8000  }
0x5a: {  	[sflag:s14] =	ssyncset.done $0x0  }
0x5b: {  	s21 =	simm.s32 $0x900;
	[sflag:s14] =	ssyncadd.s32 $0xFFFF8000  }
0x5c: {  	[tilespmem:s21+$0xFFFFFF00] =	vst v0  }
0x5d: {  	[tilespmem:s21+$0xB0] =	vst v0  }
0x5e: {  	[tilespmem:s21+$0xA0] =	vst v0  }
0x5f: {  	[tilespmem:s21+$0x90] =	vst v0  }
0x60: {  	[tilespmem:s21+$0x80] =	vst v0  }
0x61: {  	[tilespmem:s21+$0x30] =	vst v0  }
0x62: {  	[tilespmem:s21+$0x20] =	vst v0  }
0x63: {  	[tilespmem:s21+$0x10] =	vst v0  }
0x64: {  	[tilespmem:s21+$0x0] =	vst v0  }
0x65: {  	[tilespmem:s21+$0xFFFFFFB0] =	vst v0  }
0x66: {  	[tilespmem:s21+$0xFFFFFFA0] =	vst v0  }
0x67: {  	[tilespmem:s21+$0xFFFFFF90] =	vst v0  }
0x68: {  	[tilespmem:s21+$0xFFFFFF80] =	vst v0  }
0x69: {  	[tilespmem:s21+$0xFFFFFF30] =	vst v0  }
0x6a: {  	s23 =	simm.s32 $0x0;
	s19 =	simm.s32 $0x510;
	s20 =	simm.s32 $0x110;
	[tilespmem:s21+$0xFFFFFF20] =	vst v0  }
.LBB2_6:
0x6b: {  	s23 =	sadd.s32 $0x4, s23;
	[tilespmem:s21+$0xFFFFFF10] =	vst v0;
	s21 =	sadd.s32 $0x200, s21  }
0x6c: {  	[tilespmem:s21+$0xFFFFFF00] =	vst v0;
	p0 =	slt.u32 s23, $0xFC  }
0x6d: {  	[tilespmem:s21+$0xB0] =	vst v0  }
0x6e: {  	[tilespmem:s21+$0xA0] =	vst v0  }
0x6f: {  	[tilespmem:s21+$0x90] =	vst v0  }
0x70: {  	[tilespmem:s21+$0x80] =	vst v0  }
0x71: {  	[tilespmem:s21+$0x30] =	vst v0  }
0x72: {  	[tilespmem:s21+$0x20] =	vst v0  }
0x73: {  	[tilespmem:s21+$0x10] =	vst v0  }
0x74: {  	[tilespmem:s21+$0x0] =	vst v0  }
0x75: {  	[tilespmem:s21+$0xFFFFFFB0] =	vst v0  }
.Ltmp2:
0x76: {  	[tilespmem:s21+$0xFFFFFFA0] =	vst v0;
	(pc) =	sbr.rel @p0 .LBB2_6-.Ltmp2, $4  }
0x77: {  	[tilespmem:s21+$0xFFFFFF90] =	vst v0  }
0x78: {  	[tilespmem:s21+$0xFFFFFF80] =	vst v0  }
0x79: {  	[tilespmem:s21+$0xFFFFFF30] =	vst v0  }
0x7a: {  	s22 =	simm.s32 $0x10;
	[tilespmem:s21+$0xFFFFFF20] =	vst v0  }
0x7b: {  	[tilespmem:s21+$0xFFFFFF10] =	vst v0;
	s21 =	simm.s32 $0xFFFFFFFE  }
.LBB2_8:
0x7c: {  	v2 =	vld [tilespmem:s20+$0xFFFFFFF0];
	_ =	sdelay $0x2  }
0x7d: {  	s23 =	sadd.s32 $0xFFFFFFF0, s22  }
0x7e: {  	v3 =	vmov s23  }
0x7f: {  	v3 =	vshll.u32 v3, $0x7;
	v4 =	vshra.s32 v2, $0x6  }
0x80: {  	v3 =	vor.u32 v1, v3;
	v5 =	vand.u32 $0xFFFFFF80, v4  }
0x81: {  	v6 =	vld [tilespmem:s19+$0xFFFFFFF0];
	v7 =	vand.u32 $0x7F, v4;
	v5 =	vadd.s32 v3, v5  }
0x82: {  	v2 =	vand.u32 $0x3F, v2;
	v5 =	vor.u32 v7, v5  }
0x83: {  	v57 =	vor.u32 v3, v2;
	_ =	sdelay $0x1  }
0x84: {  	v8 =	vor.u32 $0x1, v3  }
0x85: {  	v9 =	vsub.f32 $1.000000000e+00, v6  }
0x86: {  	[tilespmem:v5+s16+$0x0] =	vst.idx.msk $0xffff, v6  }
0x87: {  	[tilespmem:v57+s16+$0x0] =	vst.idx.msk $0xffff, v9  }
0x88: {  	[tilespmem:v3+s17+$0x0] =	vst.idx.msk $0xffff, v4  }
0x89: {  	[tilespmem:v8+s17+$0x0] =	vst.idx.msk $0xffff, v2  }
0x8a: {  	v2 =	vld [tilespmem:s20+$0x0];
	_ =	sdelay $0x3  }
0x8b: {  	v3 =	vmov s22  }
0x8c: {  	v3 =	vshll.u32 v3, $0x7;
	v58 =	vshra.s32 v2, $0x6  }
0x8d: {  	v3 =	vor.u32 v1, v3;
	v59 =	vand.u32 $0xFFFFFF80, v58  }
0x8e: {  	v6 =	vld [tilespmem:s19+$0x0];
	v60 =	vand.u32 $0x7F, v58;
	v5 =	vadd.s32 v3, v59  }
0x8f: {  	v2 =	vand.u32 $0x3F, v2;
	v5 =	vor.u32 v60, v5  }
0x90: {  	v61 =	vor.u32 v3, v2  }
0x91: {  	s21 =	sadd.s32 $0x2, s21  }
0x92: {  	p0 =	slt.u32 s21, $0xE;
	v62 =	vor.u32 $0x1, v3  }
.Ltmp3:
0x93: {  	v63 =	vsub.f32 $1.000000000e+00, v6;
	(pc) =	sbr.rel @p0 .LBB2_8-.Ltmp3, $4  }
0x94: {  	[tilespmem:v5+s16+$0x0] =	vst.idx.msk $0xffff, v6  }
0x95: {  	[tilespmem:v61+s16+$0x0] =	vst.idx.msk $0xffff, v63  }
0x96: {  	[tilespmem:v3+s17+$0x0] =	vst.idx.msk $0xffff, v58  }
0x97: {  	s22 =	sadd.s32 $0x20, s22;
	s19 =	sadd.s32 $0x20, s19;
	s20 =	sadd.s32 $0x20, s20;
	[tilespmem:v62+s17+$0x0] =	vst.idx.msk $0xffff, v2  }
0x98: {  	[hbm4b:s7+s2] =	stream.linear.scatter [tilespmem:s16], [sflag:$0x1], $0x8000, $0x38;
	[tilespmem:$0x10800] =	vst v63  }
0x99: {  	_ =	swait.ge [sflag:s14], $0x8000  }
0x9a: {  	[sflag:s14] =	ssyncset.done $0x0  }
0x9b: {  	[sflag:s14] =	ssyncadd.s32 $0xFFFF8000  }
0x9c: {  	[hbm4b:s8+s2] =	stream.linear.scatter [tilespmem:s17], [sflag:$0x1], $0x8000, $0x38;
	[tilespmem:$0x10800] =	vst v63  }
0x9d: {  	_ =	swait.ge [sflag:s14], $0x8000  }
0x9e: {  	[sflag:s14] =	ssyncset.done $0x0  }
0x9f: {  	s21 =	simm.s32 $0x900;
	[sflag:s14] =	ssyncadd.s32 $0xFFFF8000  }
0xa0: {  	[tilespmem:s21+$0xFFFFFF00] =	vst v0  }
0xa1: {  	[tilespmem:s21+$0xB0] =	vst v0  }
0xa2: {  	[tilespmem:s21+$0xA0] =	vst v0  }
0xa3: {  	[tilespmem:s21+$0x90] =	vst v0  }
0xa4: {  	[tilespmem:s21+$0x80] =	vst v0  }
0xa5: {  	[tilespmem:s21+$0x30] =	vst v0  }
0xa6: {  	[tilespmem:s21+$0x20] =	vst v0  }
0xa7: {  	[tilespmem:s21+$0x10] =	vst v0  }
0xa8: {  	[tilespmem:s21+$0x0] =	vst v0  }
0xa9: {  	[tilespmem:s21+$0xFFFFFFB0] =	vst v0  }
0xaa: {  	[tilespmem:s21+$0xFFFFFFA0] =	vst v0  }
0xab: {  	[tilespmem:s21+$0xFFFFFF90] =	vst v0  }
0xac: {  	[tilespmem:s21+$0xFFFFFF80] =	vst v0  }
0xad: {  	[tilespmem:s21+$0xFFFFFF30] =	vst v0  }
0xae: {  	s23 =	simm.s32 $0x0;
	s19 =	simm.s32 $0x610;
	s20 =	simm.s32 $0x210;
	[tilespmem:s21+$0xFFFFFF20] =	vst v0  }
.LBB2_10:
0xaf: {  	s23 =	sadd.s32 $0x4, s23;
	[tilespmem:s21+$0xFFFFFF10] =	vst v0;
	s21 =	sadd.s32 $0x200, s21  }
0xb0: {  	[tilespmem:s21+$0xFFFFFF00] =	vst v0;
	p0 =	slt.u32 s23, $0xFC  }
0xb1: {  	[tilespmem:s21+$0xB0] =	vst v0  }
0xb2: {  	[tilespmem:s21+$0xA0] =	vst v0  }
0xb3: {  	[tilespmem:s21+$0x90] =	vst v0  }
0xb4: {  	[tilespmem:s21+$0x80] =	vst v0  }
0xb5: {  	[tilespmem:s21+$0x30] =	vst v0  }
0xb6: {  	[tilespmem:s21+$0x20] =	vst v0  }
0xb7: {  	[tilespmem:s21+$0x10] =	vst v0  }
0xb8: {  	[tilespmem:s21+$0x0] =	vst v0  }
0xb9: {  	[tilespmem:s21+$0xFFFFFFB0] =	vst v0  }
.Ltmp4:
0xba: {  	[tilespmem:s21+$0xFFFFFFA0] =	vst v0;
	(pc) =	sbr.rel @p0 .LBB2_10-.Ltmp4, $4  }
0xbb: {  	[tilespmem:s21+$0xFFFFFF90] =	vst v0  }
0xbc: {  	[tilespmem:s21+$0xFFFFFF80] =	vst v0  }
0xbd: {  	[tilespmem:s21+$0xFFFFFF30] =	vst v0  }
0xbe: {  	s22 =	simm.s32 $0x10;
	[tilespmem:s21+$0xFFFFFF20] =	vst v0  }
0xbf: {  	[tilespmem:s21+$0xFFFFFF10] =	vst v0;
	s21 =	simm.s32 $0xFFFFFFFE  }
.LBB2_12:
0xc0: {  	v2 =	vld [tilespmem:s20+$0xFFFFFFF0];
	_ =	sdelay $0x2  }
0xc1: {  	s23 =	sadd.s32 $0xFFFFFFF0, s22  }
0xc2: {  	v3 =	vmov s23  }
0xc3: {  	v3 =	vshll.u32 v3, $0x7;
	v4 =	vshra.s32 v2, $0x6  }
0xc4: {  	v3 =	vor.u32 v1, v3;
	v5 =	vand.u32 $0xFFFFFF80, v4  }
0xc5: {  	v6 =	vld [tilespmem:s19+$0xFFFFFFF0];
	v7 =	vand.u32 $0x7F, v4;
	v5 =	vadd.s32 v3, v5  }
0xc6: {  	v2 =	vand.u32 $0x3F, v2;
	v5 =	vor.u32 v7, v5  }
0xc7: {  	v57 =	vor.u32 v3, v2;
	_ =	sdelay $0x1  }
0xc8: {  	v8 =	vor.u32 $0x1, v3  }
0xc9: {  	v9 =	vsub.f32 $1.000000000e+00, v6  }
0xca: {  	[tilespmem:v5+s16+$0x0] =	vst.idx.msk $0xffff, v6  }
0xcb: {  	[tilespmem:v57+s16+$0x0] =	vst.idx.msk $0xffff, v9  }
0xcc: {  	[tilespmem:v3+s17+$0x0] =	vst.idx.msk $0xffff, v4  }
0xcd: {  	[tilespmem:v8+s17+$0x0] =	vst.idx.msk $0xffff, v2  }
0xce: {  	v2 =	vld [tilespmem:s20+$0x0];
	_ =	sdelay $0x3  }
0xcf: {  	v3 =	vmov s22  }
0xd0: {  	v3 =	vshll.u32 v3, $0x7;
	v58 =	vshra.s32 v2, $0x6  }
0xd1: {  	v3 =	vor.u32 v1, v3;
	v59 =	vand.u32 $0xFFFFFF80, v58  }
0xd2: {  	v6 =	vld [tilespmem:s19+$0x0];
	v60 =	vand.u32 $0x7F, v58;
	v5 =	vadd.s32 v3, v59  }
0xd3: {  	v2 =	vand.u32 $0x3F, v2;
	v5 =	vor.u32 v60, v5  }
0xd4: {  	v61 =	vor.u32 v3, v2  }
0xd5: {  	s21 =	sadd.s32 $0x2, s21  }
0xd6: {  	p0 =	slt.u32 s21, $0xE;
	v62 =	vor.u32 $0x1, v3  }
.Ltmp5:
0xd7: {  	v63 =	vsub.f32 $1.000000000e+00, v6;
	(pc) =	sbr.rel @p0 .LBB2_12-.Ltmp5, $4  }
0xd8: {  	[tilespmem:v5+s16+$0x0] =	vst.idx.msk $0xffff, v6  }
0xd9: {  	[tilespmem:v61+s16+$0x0] =	vst.idx.msk $0xffff, v63  }
0xda: {  	[tilespmem:v3+s17+$0x0] =	vst.idx.msk $0xffff, v58  }
0xdb: {  	s22 =	sadd.s32 $0x20, s22;
	s19 =	sadd.s32 $0x20, s19;
	s20 =	sadd.s32 $0x20, s20;
	[tilespmem:v62+s17+$0x0] =	vst.idx.msk $0xffff, v2  }
0xdc: {  	[hbm4b:s9+s2] =	stream.linear.scatter [tilespmem:s16], [sflag:$0x1], $0x8000, $0x38;
	[tilespmem:$0x10800] =	vst v63  }
0xdd: {  	_ =	swait.ge [sflag:s14], $0x8000  }
0xde: {  	[sflag:s14] =	ssyncset.done $0x0  }
0xdf: {  	[sflag:s14] =	ssyncadd.s32 $0xFFFF8000  }
0xe0: {  	[hbm4b:s10+s2] =	stream.linear.scatter [tilespmem:s17], [sflag:$0x1], $0x8000, $0x38;
	[tilespmem:$0x10800] =	vst v63  }
0xe1: {  	_ =	swait.ge [sflag:s14], $0x8000  }
0xe2: {  	[sflag:s14] =	ssyncset.done $0x0  }
0xe3: {  	s21 =	simm.s32 $0x900;
	[sflag:s14] =	ssyncadd.s32 $0xFFFF8000  }
0xe4: {  	[tilespmem:s21+$0xFFFFFF00] =	vst v0  }
0xe5: {  	[tilespmem:s21+$0xB0] =	vst v0  }
0xe6: {  	[tilespmem:s21+$0xA0] =	vst v0  }
0xe7: {  	[tilespmem:s21+$0x90] =	vst v0  }
0xe8: {  	[tilespmem:s21+$0x80] =	vst v0  }
0xe9: {  	[tilespmem:s21+$0x30] =	vst v0  }
0xea: {  	[tilespmem:s21+$0x20] =	vst v0  }
0xeb: {  	[tilespmem:s21+$0x10] =	vst v0  }
0xec: {  	[tilespmem:s21+$0x0] =	vst v0  }
0xed: {  	[tilespmem:s21+$0xFFFFFFB0] =	vst v0  }
0xee: {  	[tilespmem:s21+$0xFFFFFFA0] =	vst v0  }
0xef: {  	[tilespmem:s21+$0xFFFFFF90] =	vst v0  }
0xf0: {  	[tilespmem:s21+$0xFFFFFF80] =	vst v0  }
0xf1: {  	[tilespmem:s21+$0xFFFFFF30] =	vst v0  }
0xf2: {  	s23 =	simm.s32 $0x0;
	s19 =	simm.s32 $0x710;
	s20 =	simm.s32 $0x310;
	[tilespmem:s21+$0xFFFFFF20] =	vst v0  }
.LBB2_14:
0xf3: {  	s23 =	sadd.s32 $0x4, s23;
	[tilespmem:s21+$0xFFFFFF10] =	vst v0;
	s21 =	sadd.s32 $0x200, s21  }
0xf4: {  	[tilespmem:s21+$0xFFFFFF00] =	vst v0;
	p0 =	slt.u32 s23, $0xFC  }
0xf5: {  	[tilespmem:s21+$0xB0] =	vst v0  }
0xf6: {  	[tilespmem:s21+$0xA0] =	vst v0  }
0xf7: {  	[tilespmem:s21+$0x90] =	vst v0  }
0xf8: {  	[tilespmem:s21+$0x80] =	vst v0  }
0xf9: {  	[tilespmem:s21+$0x30] =	vst v0  }
0xfa: {  	[tilespmem:s21+$0x20] =	vst v0  }
0xfb: {  	[tilespmem:s21+$0x10] =	vst v0  }
0xfc: {  	[tilespmem:s21+$0x0] =	vst v0  }
0xfd: {  	[tilespmem:s21+$0xFFFFFFB0] =	vst v0  }
.Ltmp6:
0xfe: {  	[tilespmem:s21+$0xFFFFFFA0] =	vst v0;
	(pc) =	sbr.rel @p0 .LBB2_14-.Ltmp6, $4  }
0xff: {  	[tilespmem:s21+$0xFFFFFF90] =	vst v0  }
0x100: {  	[tilespmem:s21+$0xFFFFFF80] =	vst v0  }
0x101: {  	[tilespmem:s21+$0xFFFFFF30] =	vst v0  }
0x102: {  	s22 =	simm.s32 $0x10;
	[tilespmem:s21+$0xFFFFFF20] =	vst v0  }
0x103: {  	[tilespmem:s21+$0xFFFFFF10] =	vst v0;
	s21 =	simm.s32 $0xFFFFFFFE  }
.LBB2_16:
0x104: {  	v2 =	vld [tilespmem:s20+$0xFFFFFFF0];
	_ =	sdelay $0x2  }
0x105: {  	s23 =	sadd.s32 $0xFFFFFFF0, s22  }
0x106: {  	v3 =	vmov s23  }
0x107: {  	v3 =	vshll.u32 v3, $0x7;
	v4 =	vshra.s32 v2, $0x6  }
0x108: {  	v3 =	vor.u32 v1, v3;
	v5 =	vand.u32 $0xFFFFFF80, v4  }
0x109: {  	v6 =	vld [tilespmem:s19+$0xFFFFFFF0];
	v7 =	vand.u32 $0x7F, v4;
	v5 =	vadd.s32 v3, v5  }
0x10a: {  	v2 =	vand.u32 $0x3F, v2;
	v5 =	vor.u32 v7, v5  }
0x10b: {  	v57 =	vor.u32 v3, v2;
	_ =	sdelay $0x1  }
0x10c: {  	v8 =	vor.u32 $0x1, v3  }
0x10d: {  	v9 =	vsub.f32 $1.000000000e+00, v6  }
0x10e: {  	[tilespmem:v5+s16+$0x0] =	vst.idx.msk $0xffff, v6  }
0x10f: {  	[tilespmem:v57+s16+$0x0] =	vst.idx.msk $0xffff, v9  }
0x110: {  	[tilespmem:v3+s17+$0x0] =	vst.idx.msk $0xffff, v4  }
0x111: {  	[tilespmem:v8+s17+$0x0] =	vst.idx.msk $0xffff, v2  }
0x112: {  	v2 =	vld [tilespmem:s20+$0x0];
	_ =	sdelay $0x3  }
0x113: {  	v3 =	vmov s22  }
0x114: {  	v3 =	vshll.u32 v3, $0x7;
	v58 =	vshra.s32 v2, $0x6  }
0x115: {  	v3 =	vor.u32 v1, v3;
	v59 =	vand.u32 $0xFFFFFF80, v58  }
0x116: {  	v6 =	vld [tilespmem:s19+$0x0];
	v60 =	vand.u32 $0x7F, v58;
	v5 =	vadd.s32 v3, v59  }
0x117: {  	v2 =	vand.u32 $0x3F, v2;
	v5 =	vor.u32 v60, v5  }
0x118: {  	v61 =	vor.u32 v3, v2  }
0x119: {  	s21 =	sadd.s32 $0x2, s21  }
0x11a: {  	p0 =	slt.u32 s21, $0xE;
	v62 =	vor.u32 $0x1, v3  }
.Ltmp7:
0x11b: {  	v63 =	vsub.f32 $1.000000000e+00, v6;
	(pc) =	sbr.rel @p0 .LBB2_16-.Ltmp7, $4  }
0x11c: {  	[tilespmem:v5+s16+$0x0] =	vst.idx.msk $0xffff, v6  }
0x11d: {  	[tilespmem:v61+s16+$0x0] =	vst.idx.msk $0xffff, v63  }
0x11e: {  	[tilespmem:v3+s17+$0x0] =	vst.idx.msk $0xffff, v58  }
0x11f: {  	s22 =	sadd.s32 $0x20, s22;
	s19 =	sadd.s32 $0x20, s19;
	s20 =	sadd.s32 $0x20, s20;
	[tilespmem:v62+s17+$0x0] =	vst.idx.msk $0xffff, v2  }
0x120: {  	[hbm4b:s11+s2] =	stream.linear.scatter [tilespmem:s16], [sflag:$0x1], $0x8000, $0x38;
	[tilespmem:$0x10800] =	vst v63  }
0x121: {  	s18 =	sadd.s32 $0x1, s18;
	_ =	swait.ge [sflag:s14], $0x8000  }
0x122: {  	p0 =	sne.s32 s18, s13;
	[sflag:s14] =	ssyncset.done $0x0  }
.Ltmp8:
0x123: {  	[sflag:s14] =	ssyncadd.s32 $0xFFFF8000;
	(pc) =	sbr.rel @p0 .LBB2_1-.Ltmp8, $4  }
0x124: {  	[hbm4b:s12+s2] =	stream.linear.scatter [tilespmem:s17], [sflag:$0x1], $0x8000, $0x38;
	[tilespmem:$0x10800] =	vst v63  }
0x125: {  	_ =	swait.ge [sflag:s14], $0x8000  }
0x126: {  	[sflag:s14] =	ssyncset.done $0x0  }
0x127: {  	[sflag:s14] =	ssyncadd.s32 $0xFFFF8000  }
0x128: {  	_ =	sfence.sel $0x180000  }
0x129: {  	[bflag:$0x0] =	sbarrier.arrive $0xFFFF  }
0x12a: {  	p0 =	sne.s32 s1, $0x0;
	_ =	strace $0x90000047  }
0x12b: {  	s0 =	sadd.s32 @!p0 $0x100000, s0;
	[bflag:$0x2] =	sbarrier.arrive $0xFFFF  }
0x12c: {  	[sflag:s0] =	ssyncadd.tile.s32 @!p0 $0x1;
	_ =	shalt  }
.Lfunc_end2:
_tile_overlayer_lowered:
.L_overlay_start_2:
0x12d: {  	(tag) =	ssettag $0x2  }
0x12e: {  	s0 =	rddreg [dreg:$0x0];
	s2 =	stileid.u32  }
0x12f: {  	s1 =	rddreg [dreg:$0x1];
	p0 =	sne.s32 s2, $0x0  }
0x130: {  	s3 =	rddreg [dreg:$0x2];
	[bflag:$0x3] =	sbarrier.arrive $0xFFFF;
	s2 =	simm.s32 @!p0 $0x1C01  }
0x131: {  	[timem:s3], [sflag:s2] =	dma.local @!p0 [hbm:s0], s1  }
0x132: {  	s0 =	simm.s32 @!p0 $0x1  }
0x133: {  	_ =	swait.ge @!p0 [sflag:s0], s1  }
0x134: {  	s1 =	ssub.s32 @!p0 $0x0, s1;
	[sflag:s0] =	ssyncset.done @!p0 $0x0  }
0x135: {  	[sflag:s0] =	ssyncadd.s32 @!p0 s1  }
0x136: {  	[bflag:$0x3] =	sbarrier.arrive $0xFFFF  }
0x137: {  	_ =	shalt  }

</sc_bundles>
